<compile_context>
chip_gen: v7x
topology: tpu7x:2x2x1
jax: 0.10.2.dev20260603
libtpu: 0.0.44.dev20260713+nightly
codegen_flags: <defaults>
</compile_context>

<pallas_src>
import jax
import jax.numpy as jnp
from jax import lax
from jax.experimental import pallas as pl

_N, _IN, _HID, _FC, _CS, _FS, _H, _W = 2, 96, 96, 4, 8, 4, 224, 224
_TS = _H // _FS
_L = _TS * _TS
_S = _CS * _CS
_CG = 2 * _HID // _FC
_C2 = _CG // 2
_NT = _N * _FS * _FS

_HI = lax.Precision.HIGHEST


def _cluster_kernel(x_ref, wp_ref, bp_ref, wm_ref, bm_ref, ab_ref, pool_ref,
                    out_ref):
    X = x_ref[0]
    Wp = wp_ref[...]
    bp = bp_ref[...]
    proj = jnp.dot(X, Wp) + bp
    P = pool_ref[...]
    centers = lax.dot_general(P, proj, (((0,), (0,)), ((), ())),
                              precision=_HI)
    alpha = ab_ref[0, 0]
    beta = ab_ref[0, 1]
    idx = lax.broadcasted_iota(jnp.int32, (_L, _S), 1)

    groups = []
    for g in range(_FC):
        xg = proj[:, g * _CG:(g + 1) * _CG]
        cg = centers[:, g * _CG:(g + 1) * _CG]
        xp = xg[:, :_C2]
        xv = xg[:, _C2:]
        cp = cg[:, :_C2]
        cv = cg[:, _C2:]
        nx = xp / jnp.maximum(
            jnp.sqrt(jnp.sum(xp * xp, axis=1, keepdims=True)), 1e-12)
        nc = cp / jnp.maximum(
            jnp.sqrt(jnp.sum(cp * cp, axis=1, keepdims=True)), 1e-12)
        sim = lax.dot_general(nx, nc, (((1,), (1,)), ((), ())))
        sim = jax.nn.sigmoid(alpha * sim + beta)
        vmax = jnp.max(sim, axis=1, keepdims=True)
        cand = jnp.where(sim == vmax, idx, _S)
        imax = jnp.min(cand, axis=1, keepdims=True)
        wa = jnp.where(idx == imax, vmax, 0.0)
        ones = jnp.ones((_L, 1), dtype=jnp.float32)
        xv1 = jnp.concatenate([xv, ones], axis=1)
        sums = lax.dot_general(wa, xv1, (((0,), (0,)), ((), ())),
                               precision=_HI)
        num = cv + sums[:, :_C2]
        den = 1.0 + sums[:, _C2:_C2 + 1]
        newc = num / den
        groups.append(jnp.dot(wa, newc, precision=_HI))

    newx = jnp.concatenate(groups, axis=1)
    Wm = wm_ref[...]
    bm = bm_ref[...]
    out_ref[0] = jnp.dot(newx, Wm, precision=_HI) + bm


def _build_pool():
    h = jnp.arange(_TS) // (_TS // _CS)
    s_of_token = (h[:, None] * _CS + h[None, :]).reshape(_L)
    P = (s_of_token[:, None] == jnp.arange(_S)[None, :])
    return P.astype(jnp.float32) / float((_TS // _CS) ** 2)


@jax.jit
def kernel(x, W_proj, b_proj, W_merge, b_merge, alpha, beta):
    x_t = (x.reshape(_N, _IN, _FS, _TS, _FS, _TS)
           .transpose(0, 2, 4, 3, 5, 1)
           .reshape(_NT, _L, _IN))
    Wp = W_proj.T
    bp = b_proj.reshape(1, 2 * _HID)
    Wm = W_merge.T
    bm = b_merge.reshape(1, _IN)
    ab = jnp.concatenate([alpha, beta]).reshape(1, 2)
    P = _build_pool()

    out_t = pl.pallas_call(
        _cluster_kernel,
        grid=(_NT,),
        in_specs=[
            pl.BlockSpec((1, _L, _IN), lambda i: (i, 0, 0)),
            pl.BlockSpec((_IN, 2 * _HID), lambda i: (0, 0)),
            pl.BlockSpec((1, 2 * _HID), lambda i: (0, 0)),
            pl.BlockSpec((_IN, _IN), lambda i: (0, 0)),
            pl.BlockSpec((1, _IN), lambda i: (0, 0)),
            pl.BlockSpec((1, 2), lambda i: (0, 0)),
            pl.BlockSpec((_L, _S), lambda i: (0, 0)),
        ],
        out_specs=pl.BlockSpec((1, _L, _IN), lambda i: (i, 0, 0)),
        out_shape=jax.ShapeDtypeStruct((_NT, _L, _IN), jnp.float32),
    )(x_t, Wp, bp, Wm, bm, ab, P)

    return (out_t.reshape(_N, _FS, _FS, _TS, _TS, _IN)
            .transpose(0, 5, 1, 3, 2, 4)
            .reshape(_N, _IN, _H, _W))

# --- scband reference (transcript-rebuilt; emitter-appended) ---
"""Pipeline reference for scband-local-cluster-14740327760103 (READ-ONLY COPY).

The authoritative reference and input builder live on the scoring server;
editing this copy changes nothing except your own understanding.
"""

import jax, jax.numpy as jnp
import numpy as np

N, IN_DEPTH, HID, FC, CS, FS, H, W = 2, 96, 96, 4, 8, 4, 224, 224


def _conv1x1(x, Wt, b):
    return jnp.einsum('nchw,oc->nohw', x, Wt) + b[None, :, None, None]


def setup_inputs(seed: int = 0):
    key = jax.random.key(seed)
    ks = jax.random.split(key, 3)
    x = jax.random.normal(ks[0], (N, IN_DEPTH, H, W), dtype=jnp.float32)
    W_proj = jax.random.normal(ks[1], (2 * HID, IN_DEPTH), dtype=jnp.float32) * 0.05
    b_proj = jnp.zeros((2 * HID,), dtype=jnp.float32)
    W_merge = jax.random.normal(ks[2], (IN_DEPTH, HID), dtype=jnp.float32) * 0.05
    b_merge = jnp.zeros((IN_DEPTH,), dtype=jnp.float32)
    alpha = jnp.ones((1,), dtype=jnp.float32)
    beta = jnp.zeros((1,), dtype=jnp.float32)
    return {"x": x, "W_proj": W_proj, "b_proj": b_proj, "W_merge": W_merge, "b_merge": b_merge, "alpha": alpha, "beta": beta}


def reference(x, W_proj, b_proj, W_merge, b_merge, alpha, beta):
    n = x.shape[0]
    fc, fh, fw = FC, FS, FS
    s = CS * CS
    xp = _conv1x1(x, W_proj, b_proj)
    c = xp.shape[1] // fc
    h = xp.shape[2] // fh
    w = xp.shape[3] // fw
    m = n * fc * fh * fw
    xp = xp.reshape(n, fc, c, fh, h, fw, w).transpose(0, 1, 3, 5, 2, 4, 6).reshape(m, c, h, w)
    center = xp.reshape(m, c, CS, h // CS, CS, w // CS).mean(axis=(3, 5))
    l = h * w
    xf = xp.reshape(m, c, l).transpose(0, 2, 1)
    cf = center.reshape(m, c, s).transpose(0, 2, 1)
    c2 = c // 2
    x_point, x_value = xf[..., :c2], xf[..., c2:]
    c_point, c_value = cf[..., :c2], cf[..., c2:]
    nx = x_point / jnp.maximum(jnp.linalg.norm(x_point, axis=2, keepdims=True), 1e-12)
    nc = c_point / jnp.maximum(jnp.linalg.norm(c_point, axis=2, keepdims=True), 1e-12)
    sim = jnp.einsum('nlc,nsc->nls', nx, nc)
    sim = jax.nn.sigmoid(alpha[0] * sim + beta[0])
    vmax = sim.max(axis=2)
    imax = sim.argmax(axis=2) + s * jnp.arange(m)[:, None]
    vflat = vmax.reshape(-1)
    iflat = imax.reshape(-1)
    xv = x_value.reshape(m * l, c2)
    cv = c_value.reshape(m * s, c2)
    cv = jnp.concatenate([cv, jnp.ones((m * s, 1), dtype=cv.dtype)], axis=1)
    xv = jnp.concatenate([xv, jnp.ones((m * l, 1), dtype=xv.dtype)], axis=1)
    new_center = cv.at[iflat].add(vflat[:, None] * xv)
    new_center = new_center[:, :-1] / new_center[:, -1:]
    new_x = vflat[:, None] * new_center[iflat]
    new_x = new_x.reshape(n, fc, fh, fw, h, w, c2).transpose(0, 1, 6, 2, 4, 3, 5).reshape(n, fc * c2, fh * h, fw * w)
    return _conv1x1(new_x, W_merge, b_merge)

if __name__ == "__main__":
    import jax
    _d = setup_inputs()
    print(jax.jit(kernel)(*tuple(_d.values())))

</pallas_src>

<mosaic_0001>
module attributes {stable_mosaic.version = 14 : i64} {
  func.func @_cluster_kernel(%arg0: i32, %arg1: memref<1x3136x96xf32, #tpu.memory_space<vmem>>, %arg2: memref<96x192xf32, #tpu.memory_space<vmem>>, %arg3: memref<1x192xf32, #tpu.memory_space<vmem>>, %arg4: memref<96x96xf32, #tpu.memory_space<vmem>>, %arg5: memref<1x96xf32, #tpu.memory_space<vmem>>, %arg6: memref<1x2xf32, #tpu.memory_space<vmem>>, %arg7: memref<3136x64xf32, #tpu.memory_space<vmem>>, %arg8: memref<1x3136x96xf32, #tpu.memory_space<vmem>>) attributes {dimension_semantics = [#tpu.dimension_semantics<arbitrary>], iteration_bounds = array<i64: 32>, scalar_prefetch = 0 : i64, scratch_operands = 0 : i64, tpu.core_type = #tpu.core_type<tc>, window_params = [{transform_indices = @transform_0, window_bounds = array<i64: 1, 3136, 96>}, {pipeline_mode = #tpu.pipeline_mode<synchronous>, transform_indices = @transform_1, window_bounds = array<i64: 96, 192>}, {pipeline_mode = #tpu.pipeline_mode<synchronous>, transform_indices = @transform_2, window_bounds = array<i64: 1, 192>}, {pipeline_mode = #tpu.pipeline_mode<synchronous>, transform_indices = @transform_3, window_bounds = array<i64: 96, 96>}, {pipeline_mode = #tpu.pipeline_mode<synchronous>, transform_indices = @transform_4, window_bounds = array<i64: 1, 96>}, {pipeline_mode = #tpu.pipeline_mode<synchronous>, transform_indices = @transform_5, window_bounds = array<i64: 1, 2>}, {pipeline_mode = #tpu.pipeline_mode<synchronous>, transform_indices = @transform_6, window_bounds = array<i64: 3136, 64>}, {transform_indices = @transform_7, window_bounds = array<i64: 1, 3136, 96>}]} {
    %get3A = arith.constant 0 : index
    %get3A_0 = arith.constant 0 : index
    %get3A_1 = arith.constant 0 : index
    %get3A_2 = vector.load %arg1[%get3A, %get3A_0, %get3A_1] : memref<1x3136x96xf32, #tpu.memory_space<vmem>>, vector<1x3136x96xf32>
    %get3A_3 = vector.shape_cast %get3A_2 : vector<1x3136x96xf32> to vector<3136x96xf32>
    %get3A_4 = arith.constant 0 : index
    %get3A_5 = arith.constant 0 : index
    %get3A_6 = vector.load %arg2[%get3A_4, %get3A_5] : memref<96x192xf32, #tpu.memory_space<vmem>>, vector<96x192xf32>
    %get3A_7 = arith.constant 0 : index
    %get3A_8 = arith.constant 0 : index
    %get3A_9 = vector.load %arg3[%get3A_7, %get3A_8] : memref<1x192xf32, #tpu.memory_space<vmem>>, vector<1x192xf32>
    %dot_general3A = arith.constant dense<0.000000e+00> : vector<3136x192xf32>
    %dot_general3A_10 = tpu.matmul %get3A_3, %get3A_6, %dot_general3A {dimension_numbers = #tpu.dot_dimension_numbers<[1], [0], [0], [1], [0, 0, 1, 1], [], []>, transpose_lhs_hint = false} : vector<3136x96xf32>, vector<96x192xf32>, vector<3136x192xf32> -> vector<3136x192xf32>
    %add3A = vector.broadcast %get3A_9 : vector<1x192xf32> to vector<3136x192xf32>
    %add3A_11 = arith.addf %dot_general3A_10, %add3A : vector<3136x192xf32>
    %get3A_12 = arith.constant 0 : index
    %get3A_13 = arith.constant 0 : index
    %get3A_14 = vector.load %arg7[%get3A_12, %get3A_13] : memref<3136x64xf32, #tpu.memory_space<vmem>>, vector<3136x64xf32>
    %dot_general3A_15 = arith.constant dense<0.000000e+00> : vector<64x192xf32>
    %dot_general3A_16 = tpu.matmul %get3A_14, %add3A_11, %dot_general3A_15 {dimension_numbers = #tpu.dot_dimension_numbers<[0], [0], [1], [1], [0, 1, 1, 1], [], []>, precision = #tpu.contract_precision<fp32>, transpose_lhs_hint = false} : vector<3136x64xf32>, vector<3136x192xf32>, vector<64x192xf32> -> vector<64x192xf32>
    %get3A_17 = arith.constant 0 : index
    %get3A_18 = arith.constant 0 : index
    %get3A_19 = vector.load %arg6[%get3A_17, %get3A_18] : memref<1x2xf32, #tpu.memory_space<vmem>>, vector<1x1xf32>
    %get3A_20 = vector.extract %get3A_19[0, 0] : f32 from vector<1x1xf32>
    %get3A_21 = arith.constant 0 : index
    %get3A_22 = arith.constant 1 : index
    %get3A_23 = vector.load %arg6[%get3A_21, %get3A_22] : memref<1x2xf32, #tpu.memory_space<vmem>>, vector<1x1xf32>
    %get3A_24 = vector.extract %get3A_23[0, 0] : f32 from vector<1x1xf32>
    %iota3A = tpu.iota {dimensions = array<i32: 1>} : vector<3136x64xi32>
    %slice3A = vector.extract_strided_slice %add3A_11 {offsets = [0, 0], sizes = [3136, 48], strides = [1, 1]} : vector<3136x192xf32> to vector<3136x48xf32>
    %slice3A_25 = vector.extract_strided_slice %dot_general3A_16 {offsets = [0, 0], sizes = [64, 48], strides = [1, 1]} : vector<64x192xf32> to vector<64x48xf32>
    %slice3A_26 = vector.extract_strided_slice %slice3A {offsets = [0, 0], sizes = [3136, 24], strides = [1, 1]} : vector<3136x48xf32> to vector<3136x24xf32>
    %slice3A_27 = vector.extract_strided_slice %slice3A {offsets = [0, 24], sizes = [3136, 24], strides = [1, 1]} : vector<3136x48xf32> to vector<3136x24xf32>
    %slice3A_28 = vector.extract_strided_slice %slice3A_25 {offsets = [0, 0], sizes = [64, 24], strides = [1, 1]} : vector<64x48xf32> to vector<64x24xf32>
    %slice3A_29 = vector.extract_strided_slice %slice3A_25 {offsets = [0, 24], sizes = [64, 24], strides = [1, 1]} : vector<64x48xf32> to vector<64x24xf32>
    %mul3A = arith.mulf %slice3A_26, %slice3A_26 : vector<3136x24xf32>
    %reduce_sum3A = arith.constant dense<0.000000e+00> : vector<3136xf32>
    %reduce_sum3A_30 = vector.multi_reduction <add>, %mul3A, %reduce_sum3A [1] : vector<3136x24xf32> to vector<3136xf32>
    %broadcast_in_dim3A = vector.shape_cast %reduce_sum3A_30 : vector<3136xf32> to vector<3136x1xf32>
    %sqrt3A = math.sqrt %broadcast_in_dim3A : vector<3136x1xf32>
    %max3A = arith.constant 9.99999996E-13 : f32
    %max3A_31 = vector.broadcast %max3A : f32 to vector<3136x1xf32>
    %max3A_32 = arith.maximumf %sqrt3A, %max3A_31 : vector<3136x1xf32>
    %div3A = vector.broadcast %max3A_32 : vector<3136x1xf32> to vector<3136x24xf32>
    %div3A_33 = arith.divf %slice3A_26, %div3A : vector<3136x24xf32>
    %mul3A_34 = arith.mulf %slice3A_28, %slice3A_28 : vector<64x24xf32>
    %reduce_sum3A_35 = arith.constant dense<0.000000e+00> : vector<64xf32>
    %reduce_sum3A_36 = vector.multi_reduction <add>, %mul3A_34, %reduce_sum3A_35 [1] : vector<64x24xf32> to vector<64xf32>
    %broadcast_in_dim3A_37 = vector.shape_cast %reduce_sum3A_36 : vector<64xf32> to vector<64x1xf32>
    %sqrt3A_38 = math.sqrt %broadcast_in_dim3A_37 : vector<64x1xf32>
    %max3A_39 = arith.constant 9.99999996E-13 : f32
    %max3A_40 = vector.broadcast %max3A_39 : f32 to vector<64x1xf32>
    %max3A_41 = arith.maximumf %sqrt3A_38, %max3A_40 : vector<64x1xf32>
    %div3A_42 = vector.broadcast %max3A_41 : vector<64x1xf32> to vector<64x24xf32>
    %div3A_43 = arith.divf %slice3A_28, %div3A_42 : vector<64x24xf32>
    %dot_general3A_44 = arith.constant dense<0.000000e+00> : vector<3136x64xf32>
    %dot_general3A_45 = tpu.matmul %div3A_33, %div3A_43, %dot_general3A_44 {dimension_numbers = #tpu.dot_dimension_numbers<[1], [1], [0], [0], [0, 0, 1, 0], [], []>, transpose_lhs_hint = false} : vector<3136x24xf32>, vector<64x24xf32>, vector<3136x64xf32> -> vector<3136x64xf32>
    %mul3A_46 = vector.broadcast %get3A_20 : f32 to vector<3136x64xf32>
    %mul3A_47 = arith.mulf %mul3A_46, %dot_general3A_45 : vector<3136x64xf32>
    %add3A_48 = vector.broadcast %get3A_24 : f32 to vector<3136x64xf32>
    %add3A_49 = arith.addf %mul3A_47, %add3A_48 : vector<3136x64xf32>
    %logistic3A = arith.negf %add3A_49 : vector<3136x64xf32>
    %logistic3A_50 = math.exp %logistic3A : vector<3136x64xf32>
    %logistic3A_51 = arith.constant 1.000000e+00 : f32
    %logistic3A_52 = vector.broadcast %logistic3A_51 : f32 to vector<3136x64xf32>
    %logistic3A_53 = arith.addf %logistic3A_52, %logistic3A_50 : vector<3136x64xf32>
    %logistic3A_54 = arith.divf %logistic3A_52, %logistic3A_53 : vector<3136x64xf32>
    %reduce_max3A = arith.constant dense<0xFF800000> : vector<3136xf32>
    %reduce_max3A_55 = vector.multi_reduction <maximumf>, %logistic3A_54, %reduce_max3A [1] : vector<3136x64xf32> to vector<3136xf32>
    %broadcast_in_dim3A_56 = vector.shape_cast %reduce_max3A_55 : vector<3136xf32> to vector<3136x1xf32>
    %eq3A = vector.broadcast %broadcast_in_dim3A_56 : vector<3136x1xf32> to vector<3136x64xf32>
    %eq3A_57 = arith.cmpf oeq, %logistic3A_54, %eq3A : vector<3136x64xf32>
    %jit3A = arith.constant 64 : i32
    %broadcast_in_dim3A_58 = vector.broadcast %jit3A : i32 to vector<3136x64xi32>
    %select_n3A = arith.select %eq3A_57, %iota3A, %broadcast_in_dim3A_58 : vector<3136x64xi1>, vector<3136x64xi32>
    %reduce_min3A = arith.constant dense<2147483647> : vector<3136xi32>
    %reduce_min3A_59 = vector.multi_reduction <minsi>, %select_n3A, %reduce_min3A [1] : vector<3136x64xi32> to vector<3136xi32>
    %broadcast_in_dim3A_60 = vector.shape_cast %reduce_min3A_59 : vector<3136xi32> to vector<3136x1xi32>
    %eq3A_61 = vector.broadcast %broadcast_in_dim3A_60 : vector<3136x1xi32> to vector<3136x64xi32>
    %eq3A_62 = arith.cmpi eq, %iota3A, %eq3A_61 : vector<3136x64xi32>
    %jit3A_63 = arith.constant 0.000000e+00 : f32
    %broadcast_in_dim3A_64 = vector.shape_cast %broadcast_in_dim3A_56 : vector<3136x1xf32> to vector<3136x1xf32>
    %broadcast_in_dim3A_65 = vector.broadcast %broadcast_in_dim3A_64 : vector<3136x1xf32> to vector<3136x64xf32>
    %broadcast_in_dim3A_66 = vector.broadcast %jit3A_63 : f32 to vector<3136x64xf32>
    %select_n3A_67 = arith.select %eq3A_62, %broadcast_in_dim3A_65, %broadcast_in_dim3A_66 : vector<3136x64xi1>, vector<3136x64xf32>
    %broadcast_in_dim3A_68 = arith.constant 1.000000e+00 : f32
    %broadcast_in_dim3A_69 = vector.broadcast %broadcast_in_dim3A_68 : f32 to vector<3136x1xf32>
    %concatenate3A = tpu.concatenate %slice3A_27, %broadcast_in_dim3A_69 in 1 : vector<3136x24xf32>, vector<3136x1xf32> -> vector<3136x25xf32>
    %dot_general3A_70 = arith.constant dense<0.000000e+00> : vector<64x25xf32>
    %dot_general3A_71 = tpu.matmul %select_n3A_67, %concatenate3A, %dot_general3A_70 {dimension_numbers = #tpu.dot_dimension_numbers<[0], [0], [1], [1], [0, 1, 1, 1], [], []>, precision = #tpu.contract_precision<fp32>, transpose_lhs_hint = false} : vector<3136x64xf32>, vector<3136x25xf32>, vector<64x25xf32> -> vector<64x25xf32>
    %slice3A_72 = vector.extract_strided_slice %dot_general3A_71 {offsets = [0, 0], sizes = [64, 24], strides = [1, 1]} : vector<64x25xf32> to vector<64x24xf32>
    %add3A_73 = arith.addf %slice3A_29, %slice3A_72 : vector<64x24xf32>
    %slice3A_74 = vector.extract_strided_slice %dot_general3A_71 {offsets = [0, 24], sizes = [64, 1], strides = [1, 1]} : vector<64x25xf32> to vector<64x1xf32>
    %add3A_75 = arith.constant 1.000000e+00 : f32
    %add3A_76 = vector.broadcast %add3A_75 : f32 to vector<64x1xf32>
    %add3A_77 = arith.addf %add3A_76, %slice3A_74 : vector<64x1xf32>
    %div3A_78 = vector.broadcast %add3A_77 : vector<64x1xf32> to vector<64x24xf32>
    %div3A_79 = arith.divf %add3A_73, %div3A_78 : vector<64x24xf32>
    %dot_general3A_80 = arith.constant dense<0.000000e+00> : vector<3136x24xf32>
    %dot_general3A_81 = tpu.matmul %select_n3A_67, %div3A_79, %dot_general3A_80 {dimension_numbers = #tpu.dot_dimension_numbers<[1], [0], [0], [1], [0, 0, 1, 1], [], []>, precision = #tpu.contract_precision<fp32>, transpose_lhs_hint = false} : vector<3136x64xf32>, vector<64x24xf32>, vector<3136x24xf32> -> vector<3136x24xf32>
    %slice3A_82 = vector.extract_strided_slice %add3A_11 {offsets = [0, 48], sizes = [3136, 48], strides = [1, 1]} : vector<3136x192xf32> to vector<3136x48xf32>
    %slice3A_83 = vector.extract_strided_slice %dot_general3A_16 {offsets = [0, 48], sizes = [64, 48], strides = [1, 1]} : vector<64x192xf32> to vector<64x48xf32>
    %slice3A_84 = vector.extract_strided_slice %slice3A_82 {offsets = [0, 0], sizes = [3136, 24], strides = [1, 1]} : vector<3136x48xf32> to vector<3136x24xf32>
    %slice3A_85 = vector.extract_strided_slice %slice3A_82 {offsets = [0, 24], sizes = [3136, 24], strides = [1, 1]} : vector<3136x48xf32> to vector<3136x24xf32>
    %slice3A_86 = vector.extract_strided_slice %slice3A_83 {offsets = [0, 0], sizes = [64, 24], strides = [1, 1]} : vector<64x48xf32> to vector<64x24xf32>
    %slice3A_87 = vector.extract_strided_slice %slice3A_83 {offsets = [0, 24], sizes = [64, 24], strides = [1, 1]} : vector<64x48xf32> to vector<64x24xf32>
    %mul3A_88 = arith.mulf %slice3A_84, %slice3A_84 : vector<3136x24xf32>
    %reduce_sum3A_89 = arith.constant dense<0.000000e+00> : vector<3136xf32>
    %reduce_sum3A_90 = vector.multi_reduction <add>, %mul3A_88, %reduce_sum3A_89 [1] : vector<3136x24xf32> to vector<3136xf32>
    %broadcast_in_dim3A_91 = vector.shape_cast %reduce_sum3A_90 : vector<3136xf32> to vector<3136x1xf32>
    %sqrt3A_92 = math.sqrt %broadcast_in_dim3A_91 : vector<3136x1xf32>
    %max3A_93 = arith.constant 9.99999996E-13 : f32
    %max3A_94 = vector.broadcast %max3A_93 : f32 to vector<3136x1xf32>
    %max3A_95 = arith.maximumf %sqrt3A_92, %max3A_94 : vector<3136x1xf32>
    %div3A_96 = vector.broadcast %max3A_95 : vector<3136x1xf32> to vector<3136x24xf32>
    %div3A_97 = arith.divf %slice3A_84, %div3A_96 : vector<3136x24xf32>
    %mul3A_98 = arith.mulf %slice3A_86, %slice3A_86 : vector<64x24xf32>
    %reduce_sum3A_99 = arith.constant dense<0.000000e+00> : vector<64xf32>
    %reduce_sum3A_100 = vector.multi_reduction <add>, %mul3A_98, %reduce_sum3A_99 [1] : vector<64x24xf32> to vector<64xf32>
    %broadcast_in_dim3A_101 = vector.shape_cast %reduce_sum3A_100 : vector<64xf32> to vector<64x1xf32>
    %sqrt3A_102 = math.sqrt %broadcast_in_dim3A_101 : vector<64x1xf32>
    %max3A_103 = arith.constant 9.99999996E-13 : f32
    %max3A_104 = vector.broadcast %max3A_103 : f32 to vector<64x1xf32>
    %max3A_105 = arith.maximumf %sqrt3A_102, %max3A_104 : vector<64x1xf32>
    %div3A_106 = vector.broadcast %max3A_105 : vector<64x1xf32> to vector<64x24xf32>
    %div3A_107 = arith.divf %slice3A_86, %div3A_106 : vector<64x24xf32>
    %dot_general3A_108 = arith.constant dense<0.000000e+00> : vector<3136x64xf32>
    %dot_general3A_109 = tpu.matmul %div3A_97, %div3A_107, %dot_general3A_108 {dimension_numbers = #tpu.dot_dimension_numbers<[1], [1], [0], [0], [0, 0, 1, 0], [], []>, transpose_lhs_hint = false} : vector<3136x24xf32>, vector<64x24xf32>, vector<3136x64xf32> -> vector<3136x64xf32>
    %mul3A_110 = vector.broadcast %get3A_20 : f32 to vector<3136x64xf32>
    %mul3A_111 = arith.mulf %mul3A_110, %dot_general3A_109 : vector<3136x64xf32>
    %add3A_112 = vector.broadcast %get3A_24 : f32 to vector<3136x64xf32>
    %add3A_113 = arith.addf %mul3A_111, %add3A_112 : vector<3136x64xf32>
    %logistic3A_114 = arith.negf %add3A_113 : vector<3136x64xf32>
    %logistic3A_115 = math.exp %logistic3A_114 : vector<3136x64xf32>
    %logistic3A_116 = arith.constant 1.000000e+00 : f32
    %logistic3A_117 = vector.broadcast %logistic3A_116 : f32 to vector<3136x64xf32>
    %logistic3A_118 = arith.addf %logistic3A_117, %logistic3A_115 : vector<3136x64xf32>
    %logistic3A_119 = arith.divf %logistic3A_117, %logistic3A_118 : vector<3136x64xf32>
    %reduce_max3A_120 = arith.constant dense<0xFF800000> : vector<3136xf32>
    %reduce_max3A_121 = vector.multi_reduction <maximumf>, %logistic3A_119, %reduce_max3A_120 [1] : vector<3136x64xf32> to vector<3136xf32>
    %broadcast_in_dim3A_122 = vector.shape_cast %reduce_max3A_121 : vector<3136xf32> to vector<3136x1xf32>
    %eq3A_123 = vector.broadcast %broadcast_in_dim3A_122 : vector<3136x1xf32> to vector<3136x64xf32>
    %eq3A_124 = arith.cmpf oeq, %logistic3A_119, %eq3A_123 : vector<3136x64xf32>
    %jit3A_125 = arith.constant 64 : i32
    %broadcast_in_dim3A_126 = vector.broadcast %jit3A_125 : i32 to vector<3136x64xi32>
    %select_n3A_127 = arith.select %eq3A_124, %iota3A, %broadcast_in_dim3A_126 : vector<3136x64xi1>, vector<3136x64xi32>
    %reduce_min3A_128 = arith.constant dense<2147483647> : vector<3136xi32>
    %reduce_min3A_129 = vector.multi_reduction <minsi>, %select_n3A_127, %reduce_min3A_128 [1] : vector<3136x64xi32> to vector<3136xi32>
    %broadcast_in_dim3A_130 = vector.shape_cast %reduce_min3A_129 : vector<3136xi32> to vector<3136x1xi32>
    %eq3A_131 = vector.broadcast %broadcast_in_dim3A_130 : vector<3136x1xi32> to vector<3136x64xi32>
    %eq3A_132 = arith.cmpi eq, %iota3A, %eq3A_131 : vector<3136x64xi32>
    %jit3A_133 = arith.constant 0.000000e+00 : f32
    %broadcast_in_dim3A_134 = vector.shape_cast %broadcast_in_dim3A_122 : vector<3136x1xf32> to vector<3136x1xf32>
    %broadcast_in_dim3A_135 = vector.broadcast %broadcast_in_dim3A_134 : vector<3136x1xf32> to vector<3136x64xf32>
    %broadcast_in_dim3A_136 = vector.broadcast %jit3A_133 : f32 to vector<3136x64xf32>
    %select_n3A_137 = arith.select %eq3A_132, %broadcast_in_dim3A_135, %broadcast_in_dim3A_136 : vector<3136x64xi1>, vector<3136x64xf32>
    %broadcast_in_dim3A_138 = arith.constant 1.000000e+00 : f32
    %broadcast_in_dim3A_139 = vector.broadcast %broadcast_in_dim3A_138 : f32 to vector<3136x1xf32>
    %concatenate3A_140 = tpu.concatenate %slice3A_85, %broadcast_in_dim3A_139 in 1 : vector<3136x24xf32>, vector<3136x1xf32> -> vector<3136x25xf32>
    %dot_general3A_141 = arith.constant dense<0.000000e+00> : vector<64x25xf32>
    %dot_general3A_142 = tpu.matmul %select_n3A_137, %concatenate3A_140, %dot_general3A_141 {dimension_numbers = #tpu.dot_dimension_numbers<[0], [0], [1], [1], [0, 1, 1, 1], [], []>, precision = #tpu.contract_precision<fp32>, transpose_lhs_hint = false} : vector<3136x64xf32>, vector<3136x25xf32>, vector<64x25xf32> -> vector<64x25xf32>
    %slice3A_143 = vector.extract_strided_slice %dot_general3A_142 {offsets = [0, 0], sizes = [64, 24], strides = [1, 1]} : vector<64x25xf32> to vector<64x24xf32>
    %add3A_144 = arith.addf %slice3A_87, %slice3A_143 : vector<64x24xf32>
    %slice3A_145 = vector.extract_strided_slice %dot_general3A_142 {offsets = [0, 24], sizes = [64, 1], strides = [1, 1]} : vector<64x25xf32> to vector<64x1xf32>
    %add3A_146 = arith.constant 1.000000e+00 : f32
    %add3A_147 = vector.broadcast %add3A_146 : f32 to vector<64x1xf32>
    %add3A_148 = arith.addf %add3A_147, %slice3A_145 : vector<64x1xf32>
    %div3A_149 = vector.broadcast %add3A_148 : vector<64x1xf32> to vector<64x24xf32>
    %div3A_150 = arith.divf %add3A_144, %div3A_149 : vector<64x24xf32>
    %dot_general3A_151 = arith.constant dense<0.000000e+00> : vector<3136x24xf32>
    %dot_general3A_152 = tpu.matmul %select_n3A_137, %div3A_150, %dot_general3A_151 {dimension_numbers = #tpu.dot_dimension_numbers<[1], [0], [0], [1], [0, 0, 1, 1], [], []>, precision = #tpu.contract_precision<fp32>, transpose_lhs_hint = false} : vector<3136x64xf32>, vector<64x24xf32>, vector<3136x24xf32> -> vector<3136x24xf32>
    %slice3A_153 = vector.extract_strided_slice %add3A_11 {offsets = [0, 96], sizes = [3136, 48], strides = [1, 1]} : vector<3136x192xf32> to vector<3136x48xf32>
    %slice3A_154 = vector.extract_strided_slice %dot_general3A_16 {offsets = [0, 96], sizes = [64, 48], strides = [1, 1]} : vector<64x192xf32> to vector<64x48xf32>
    %slice3A_155 = vector.extract_strided_slice %slice3A_153 {offsets = [0, 0], sizes = [3136, 24], strides = [1, 1]} : vector<3136x48xf32> to vector<3136x24xf32>
    %slice3A_156 = vector.extract_strided_slice %slice3A_153 {offsets = [0, 24], sizes = [3136, 24], strides = [1, 1]} : vector<3136x48xf32> to vector<3136x24xf32>
    %slice3A_157 = vector.extract_strided_slice %slice3A_154 {offsets = [0, 0], sizes = [64, 24], strides = [1, 1]} : vector<64x48xf32> to vector<64x24xf32>
    %slice3A_158 = vector.extract_strided_slice %slice3A_154 {offsets = [0, 24], sizes = [64, 24], strides = [1, 1]} : vector<64x48xf32> to vector<64x24xf32>
    %mul3A_159 = arith.mulf %slice3A_155, %slice3A_155 : vector<3136x24xf32>
    %reduce_sum3A_160 = arith.constant dense<0.000000e+00> : vector<3136xf32>
    %reduce_sum3A_161 = vector.multi_reduction <add>, %mul3A_159, %reduce_sum3A_160 [1] : vector<3136x24xf32> to vector<3136xf32>
    %broadcast_in_dim3A_162 = vector.shape_cast %reduce_sum3A_161 : vector<3136xf32> to vector<3136x1xf32>
    %sqrt3A_163 = math.sqrt %broadcast_in_dim3A_162 : vector<3136x1xf32>
    %max3A_164 = arith.constant 9.99999996E-13 : f32
    %max3A_165 = vector.broadcast %max3A_164 : f32 to vector<3136x1xf32>
    %max3A_166 = arith.maximumf %sqrt3A_163, %max3A_165 : vector<3136x1xf32>
    %div3A_167 = vector.broadcast %max3A_166 : vector<3136x1xf32> to vector<3136x24xf32>
    %div3A_168 = arith.divf %slice3A_155, %div3A_167 : vector<3136x24xf32>
    %mul3A_169 = arith.mulf %slice3A_157, %slice3A_157 : vector<64x24xf32>
    %reduce_sum3A_170 = arith.constant dense<0.000000e+00> : vector<64xf32>
    %reduce_sum3A_171 = vector.multi_reduction <add>, %mul3A_169, %reduce_sum3A_170 [1] : vector<64x24xf32> to vector<64xf32>
    %broadcast_in_dim3A_172 = vector.shape_cast %reduce_sum3A_171 : vector<64xf32> to vector<64x1xf32>
    %sqrt3A_173 = math.sqrt %broadcast_in_dim3A_172 : vector<64x1xf32>
    %max3A_174 = arith.constant 9.99999996E-13 : f32
    %max3A_175 = vector.broadcast %max3A_174 : f32 to vector<64x1xf32>
    %max3A_176 = arith.maximumf %sqrt3A_173, %max3A_175 : vector<64x1xf32>
    %div3A_177 = vector.broadcast %max3A_176 : vector<64x1xf32> to vector<64x24xf32>
    %div3A_178 = arith.divf %slice3A_157, %div3A_177 : vector<64x24xf32>
    %dot_general3A_179 = arith.constant dense<0.000000e+00> : vector<3136x64xf32>
    %dot_general3A_180 = tpu.matmul %div3A_168, %div3A_178, %dot_general3A_179 {dimension_numbers = #tpu.dot_dimension_numbers<[1], [1], [0], [0], [0, 0, 1, 0], [], []>, transpose_lhs_hint = false} : vector<3136x24xf32>, vector<64x24xf32>, vector<3136x64xf32> -> vector<3136x64xf32>
    %mul3A_181 = vector.broadcast %get3A_20 : f32 to vector<3136x64xf32>
    %mul3A_182 = arith.mulf %mul3A_181, %dot_general3A_180 : vector<3136x64xf32>
    %add3A_183 = vector.broadcast %get3A_24 : f32 to vector<3136x64xf32>
    %add3A_184 = arith.addf %mul3A_182, %add3A_183 : vector<3136x64xf32>
    %logistic3A_185 = arith.negf %add3A_184 : vector<3136x64xf32>
    %logistic3A_186 = math.exp %logistic3A_185 : vector<3136x64xf32>
    %logistic3A_187 = arith.constant 1.000000e+00 : f32
    %logistic3A_188 = vector.broadcast %logistic3A_187 : f32 to vector<3136x64xf32>
    %logistic3A_189 = arith.addf %logistic3A_188, %logistic3A_186 : vector<3136x64xf32>
    %logistic3A_190 = arith.divf %logistic3A_188, %logistic3A_189 : vector<3136x64xf32>
    %reduce_max3A_191 = arith.constant dense<0xFF800000> : vector<3136xf32>
    %reduce_max3A_192 = vector.multi_reduction <maximumf>, %logistic3A_190, %reduce_max3A_191 [1] : vector<3136x64xf32> to vector<3136xf32>
    %broadcast_in_dim3A_193 = vector.shape_cast %reduce_max3A_192 : vector<3136xf32> to vector<3136x1xf32>
    %eq3A_194 = vector.broadcast %broadcast_in_dim3A_193 : vector<3136x1xf32> to vector<3136x64xf32>
    %eq3A_195 = arith.cmpf oeq, %logistic3A_190, %eq3A_194 : vector<3136x64xf32>
    %jit3A_196 = arith.constant 64 : i32
    %broadcast_in_dim3A_197 = vector.broadcast %jit3A_196 : i32 to vector<3136x64xi32>
    %select_n3A_198 = arith.select %eq3A_195, %iota3A, %broadcast_in_dim3A_197 : vector<3136x64xi1>, vector<3136x64xi32>
    %reduce_min3A_199 = arith.constant dense<2147483647> : vector<3136xi32>
    %reduce_min3A_200 = vector.multi_reduction <minsi>, %select_n3A_198, %reduce_min3A_199 [1] : vector<3136x64xi32> to vector<3136xi32>
    %broadcast_in_dim3A_201 = vector.shape_cast %reduce_min3A_200 : vector<3136xi32> to vector<3136x1xi32>
    %eq3A_202 = vector.broadcast %broadcast_in_dim3A_201 : vector<3136x1xi32> to vector<3136x64xi32>
    %eq3A_203 = arith.cmpi eq, %iota3A, %eq3A_202 : vector<3136x64xi32>
    %jit3A_204 = arith.constant 0.000000e+00 : f32
    %broadcast_in_dim3A_205 = vector.shape_cast %broadcast_in_dim3A_193 : vector<3136x1xf32> to vector<3136x1xf32>
    %broadcast_in_dim3A_206 = vector.broadcast %broadcast_in_dim3A_205 : vector<3136x1xf32> to vector<3136x64xf32>
    %broadcast_in_dim3A_207 = vector.broadcast %jit3A_204 : f32 to vector<3136x64xf32>
    %select_n3A_208 = arith.select %eq3A_203, %broadcast_in_dim3A_206, %broadcast_in_dim3A_207 : vector<3136x64xi1>, vector<3136x64xf32>
    %broadcast_in_dim3A_209 = arith.constant 1.000000e+00 : f32
    %broadcast_in_dim3A_210 = vector.broadcast %broadcast_in_dim3A_209 : f32 to vector<3136x1xf32>
    %concatenate3A_211 = tpu.concatenate %slice3A_156, %broadcast_in_dim3A_210 in 1 : vector<3136x24xf32>, vector<3136x1xf32> -> vector<3136x25xf32>
    %dot_general3A_212 = arith.constant dense<0.000000e+00> : vector<64x25xf32>
    %dot_general3A_213 = tpu.matmul %select_n3A_208, %concatenate3A_211, %dot_general3A_212 {dimension_numbers = #tpu.dot_dimension_numbers<[0], [0], [1], [1], [0, 1, 1, 1], [], []>, precision = #tpu.contract_precision<fp32>, transpose_lhs_hint = false} : vector<3136x64xf32>, vector<3136x25xf32>, vector<64x25xf32> -> vector<64x25xf32>
    %slice3A_214 = vector.extract_strided_slice %dot_general3A_213 {offsets = [0, 0], sizes = [64, 24], strides = [1, 1]} : vector<64x25xf32> to vector<64x24xf32>
    %add3A_215 = arith.addf %slice3A_158, %slice3A_214 : vector<64x24xf32>
    %slice3A_216 = vector.extract_strided_slice %dot_general3A_213 {offsets = [0, 24], sizes = [64, 1], strides = [1, 1]} : vector<64x25xf32> to vector<64x1xf32>
    %add3A_217 = arith.constant 1.000000e+00 : f32
    %add3A_218 = vector.broadcast %add3A_217 : f32 to vector<64x1xf32>
    %add3A_219 = arith.addf %add3A_218, %slice3A_216 : vector<64x1xf32>
    %div3A_220 = vector.broadcast %add3A_219 : vector<64x1xf32> to vector<64x24xf32>
    %div3A_221 = arith.divf %add3A_215, %div3A_220 : vector<64x24xf32>
    %dot_general3A_222 = arith.constant dense<0.000000e+00> : vector<3136x24xf32>
    %dot_general3A_223 = tpu.matmul %select_n3A_208, %div3A_221, %dot_general3A_222 {dimension_numbers = #tpu.dot_dimension_numbers<[1], [0], [0], [1], [0, 0, 1, 1], [], []>, precision = #tpu.contract_precision<fp32>, transpose_lhs_hint = false} : vector<3136x64xf32>, vector<64x24xf32>, vector<3136x24xf32> -> vector<3136x24xf32>
    %slice3A_224 = vector.extract_strided_slice %add3A_11 {offsets = [0, 144], sizes = [3136, 48], strides = [1, 1]} : vector<3136x192xf32> to vector<3136x48xf32>
    %slice3A_225 = vector.extract_strided_slice %dot_general3A_16 {offsets = [0, 144], sizes = [64, 48], strides = [1, 1]} : vector<64x192xf32> to vector<64x48xf32>
    %slice3A_226 = vector.extract_strided_slice %slice3A_224 {offsets = [0, 0], sizes = [3136, 24], strides = [1, 1]} : vector<3136x48xf32> to vector<3136x24xf32>
    %slice3A_227 = vector.extract_strided_slice %slice3A_224 {offsets = [0, 24], sizes = [3136, 24], strides = [1, 1]} : vector<3136x48xf32> to vector<3136x24xf32>
    %slice3A_228 = vector.extract_strided_slice %slice3A_225 {offsets = [0, 0], sizes = [64, 24], strides = [1, 1]} : vector<64x48xf32> to vector<64x24xf32>
    %slice3A_229 = vector.extract_strided_slice %slice3A_225 {offsets = [0, 24], sizes = [64, 24], strides = [1, 1]} : vector<64x48xf32> to vector<64x24xf32>
    %mul3A_230 = arith.mulf %slice3A_226, %slice3A_226 : vector<3136x24xf32>
    %reduce_sum3A_231 = arith.constant dense<0.000000e+00> : vector<3136xf32>
    %reduce_sum3A_232 = vector.multi_reduction <add>, %mul3A_230, %reduce_sum3A_231 [1] : vector<3136x24xf32> to vector<3136xf32>
    %broadcast_in_dim3A_233 = vector.shape_cast %reduce_sum3A_232 : vector<3136xf32> to vector<3136x1xf32>
    %sqrt3A_234 = math.sqrt %broadcast_in_dim3A_233 : vector<3136x1xf32>
    %max3A_235 = arith.constant 9.99999996E-13 : f32
    %max3A_236 = vector.broadcast %max3A_235 : f32 to vector<3136x1xf32>
    %max3A_237 = arith.maximumf %sqrt3A_234, %max3A_236 : vector<3136x1xf32>
    %div3A_238 = vector.broadcast %max3A_237 : vector<3136x1xf32> to vector<3136x24xf32>
    %div3A_239 = arith.divf %slice3A_226, %div3A_238 : vector<3136x24xf32>
    %mul3A_240 = arith.mulf %slice3A_228, %slice3A_228 : vector<64x24xf32>
    %reduce_sum3A_241 = arith.constant dense<0.000000e+00> : vector<64xf32>
    %reduce_sum3A_242 = vector.multi_reduction <add>, %mul3A_240, %reduce_sum3A_241 [1] : vector<64x24xf32> to vector<64xf32>
    %broadcast_in_dim3A_243 = vector.shape_cast %reduce_sum3A_242 : vector<64xf32> to vector<64x1xf32>
    %sqrt3A_244 = math.sqrt %broadcast_in_dim3A_243 : vector<64x1xf32>
    %max3A_245 = arith.constant 9.99999996E-13 : f32
    %max3A_246 = vector.broadcast %max3A_245 : f32 to vector<64x1xf32>
    %max3A_247 = arith.maximumf %sqrt3A_244, %max3A_246 : vector<64x1xf32>
    %div3A_248 = vector.broadcast %max3A_247 : vector<64x1xf32> to vector<64x24xf32>
    %div3A_249 = arith.divf %slice3A_228, %div3A_248 : vector<64x24xf32>
    %dot_general3A_250 = arith.constant dense<0.000000e+00> : vector<3136x64xf32>
    %dot_general3A_251 = tpu.matmul %div3A_239, %div3A_249, %dot_general3A_250 {dimension_numbers = #tpu.dot_dimension_numbers<[1], [1], [0], [0], [0, 0, 1, 0], [], []>, transpose_lhs_hint = false} : vector<3136x24xf32>, vector<64x24xf32>, vector<3136x64xf32> -> vector<3136x64xf32>
    %mul3A_252 = vector.broadcast %get3A_20 : f32 to vector<3136x64xf32>
    %mul3A_253 = arith.mulf %mul3A_252, %dot_general3A_251 : vector<3136x64xf32>
    %add3A_254 = vector.broadcast %get3A_24 : f32 to vector<3136x64xf32>
    %add3A_255 = arith.addf %mul3A_253, %add3A_254 : vector<3136x64xf32>
    %logistic3A_256 = arith.negf %add3A_255 : vector<3136x64xf32>
    %logistic3A_257 = math.exp %logistic3A_256 : vector<3136x64xf32>
    %logistic3A_258 = arith.constant 1.000000e+00 : f32
    %logistic3A_259 = vector.broadcast %logistic3A_258 : f32 to vector<3136x64xf32>
    %logistic3A_260 = arith.addf %logistic3A_259, %logistic3A_257 : vector<3136x64xf32>
    %logistic3A_261 = arith.divf %logistic3A_259, %logistic3A_260 : vector<3136x64xf32>
    %reduce_max3A_262 = arith.constant dense<0xFF800000> : vector<3136xf32>
    %reduce_max3A_263 = vector.multi_reduction <maximumf>, %logistic3A_261, %reduce_max3A_262 [1] : vector<3136x64xf32> to vector<3136xf32>
    %broadcast_in_dim3A_264 = vector.shape_cast %reduce_max3A_263 : vector<3136xf32> to vector<3136x1xf32>
    %eq3A_265 = vector.broadcast %broadcast_in_dim3A_264 : vector<3136x1xf32> to vector<3136x64xf32>
    %eq3A_266 = arith.cmpf oeq, %logistic3A_261, %eq3A_265 : vector<3136x64xf32>
    %jit3A_267 = arith.constant 64 : i32
    %broadcast_in_dim3A_268 = vector.broadcast %jit3A_267 : i32 to vector<3136x64xi32>
    %select_n3A_269 = arith.select %eq3A_266, %iota3A, %broadcast_in_dim3A_268 : vector<3136x64xi1>, vector<3136x64xi32>
    %reduce_min3A_270 = arith.constant dense<2147483647> : vector<3136xi32>
    %reduce_min3A_271 = vector.multi_reduction <minsi>, %select_n3A_269, %reduce_min3A_270 [1] : vector<3136x64xi32> to vector<3136xi32>
    %broadcast_in_dim3A_272 = vector.shape_cast %reduce_min3A_271 : vector<3136xi32> to vector<3136x1xi32>
    %eq3A_273 = vector.broadcast %broadcast_in_dim3A_272 : vector<3136x1xi32> to vector<3136x64xi32>
    %eq3A_274 = arith.cmpi eq, %iota3A, %eq3A_273 : vector<3136x64xi32>
    %jit3A_275 = arith.constant 0.000000e+00 : f32
    %broadcast_in_dim3A_276 = vector.shape_cast %broadcast_in_dim3A_264 : vector<3136x1xf32> to vector<3136x1xf32>
    %broadcast_in_dim3A_277 = vector.broadcast %broadcast_in_dim3A_276 : vector<3136x1xf32> to vector<3136x64xf32>
    %broadcast_in_dim3A_278 = vector.broadcast %jit3A_275 : f32 to vector<3136x64xf32>
    %select_n3A_279 = arith.select %eq3A_274, %broadcast_in_dim3A_277, %broadcast_in_dim3A_278 : vector<3136x64xi1>, vector<3136x64xf32>
    %broadcast_in_dim3A_280 = arith.constant 1.000000e+00 : f32
    %broadcast_in_dim3A_281 = vector.broadcast %broadcast_in_dim3A_280 : f32 to vector<3136x1xf32>
    %concatenate3A_282 = tpu.concatenate %slice3A_227, %broadcast_in_dim3A_281 in 1 : vector<3136x24xf32>, vector<3136x1xf32> -> vector<3136x25xf32>
    %dot_general3A_283 = arith.constant dense<0.000000e+00> : vector<64x25xf32>
    %dot_general3A_284 = tpu.matmul %select_n3A_279, %concatenate3A_282, %dot_general3A_283 {dimension_numbers = #tpu.dot_dimension_numbers<[0], [0], [1], [1], [0, 1, 1, 1], [], []>, precision = #tpu.contract_precision<fp32>, transpose_lhs_hint = false} : vector<3136x64xf32>, vector<3136x25xf32>, vector<64x25xf32> -> vector<64x25xf32>
    %slice3A_285 = vector.extract_strided_slice %dot_general3A_284 {offsets = [0, 0], sizes = [64, 24], strides = [1, 1]} : vector<64x25xf32> to vector<64x24xf32>
    %add3A_286 = arith.addf %slice3A_229, %slice3A_285 : vector<64x24xf32>
    %slice3A_287 = vector.extract_strided_slice %dot_general3A_284 {offsets = [0, 24], sizes = [64, 1], strides = [1, 1]} : vector<64x25xf32> to vector<64x1xf32>
    %add3A_288 = arith.constant 1.000000e+00 : f32
    %add3A_289 = vector.broadcast %add3A_288 : f32 to vector<64x1xf32>
    %add3A_290 = arith.addf %add3A_289, %slice3A_287 : vector<64x1xf32>
    %div3A_291 = vector.broadcast %add3A_290 : vector<64x1xf32> to vector<64x24xf32>
    %div3A_292 = arith.divf %add3A_286, %div3A_291 : vector<64x24xf32>
    %dot_general3A_293 = arith.constant dense<0.000000e+00> : vector<3136x24xf32>
    %dot_general3A_294 = tpu.matmul %select_n3A_279, %div3A_292, %dot_general3A_293 {dimension_numbers = #tpu.dot_dimension_numbers<[1], [0], [0], [1], [0, 0, 1, 1], [], []>, precision = #tpu.contract_precision<fp32>, transpose_lhs_hint = false} : vector<3136x64xf32>, vector<64x24xf32>, vector<3136x24xf32> -> vector<3136x24xf32>
    %concatenate3A_295 = tpu.concatenate %dot_general3A_81, %dot_general3A_152, %dot_general3A_223, %dot_general3A_294 in 1 : vector<3136x24xf32>, vector<3136x24xf32>, vector<3136x24xf32>, vector<3136x24xf32> -> vector<3136x96xf32>
    %get3A_296 = arith.constant 0 : index
    %get3A_297 = arith.constant 0 : index
    %get3A_298 = vector.load %arg4[%get3A_296, %get3A_297] : memref<96x96xf32, #tpu.memory_space<vmem>>, vector<96x96xf32>
    %get3A_299 = arith.constant 0 : index
    %get3A_300 = arith.constant 0 : index
    %get3A_301 = vector.load %arg5[%get3A_299, %get3A_300] : memref<1x96xf32, #tpu.memory_space<vmem>>, vector<1x96xf32>
    %dot_general3A_302 = arith.constant dense<0.000000e+00> : vector<3136x96xf32>
    %dot_general3A_303 = tpu.matmul %concatenate3A_295, %get3A_298, %dot_general3A_302 {dimension_numbers = #tpu.dot_dimension_numbers<[1], [0], [0], [1], [0, 0, 1, 1], [], []>, precision = #tpu.contract_precision<fp32>, transpose_lhs_hint = false} : vector<3136x96xf32>, vector<96x96xf32>, vector<3136x96xf32> -> vector<3136x96xf32>
    %add3A_304 = vector.broadcast %get3A_301 : vector<1x96xf32> to vector<3136x96xf32>
    %add3A_305 = arith.addf %dot_general3A_303, %add3A_304 : vector<3136x96xf32>
    %swap3A = arith.constant 0 : index
    %swap3A_306 = arith.constant 0 : index
    %swap3A_307 = arith.constant 0 : index
    %swap3A_308 = vector.load %arg8[%swap3A, %swap3A_306, %swap3A_307] : memref<1x3136x96xf32, #tpu.memory_space<vmem>>, vector<1x3136x96xf32>
    %swap3A_309 = vector.shape_cast %swap3A_308 : vector<1x3136x96xf32> to vector<3136x96xf32>
    %swap3A_310 = vector.shape_cast %add3A_305 : vector<3136x96xf32> to vector<1x3136x96xf32>
    tpu.vector_store %arg8[%swap3A, %swap3A_306, %swap3A_307], %swap3A_310 {strides = array<i32>} : memref<1x3136x96xf32, #tpu.memory_space<vmem>>, vector<1x3136x96xf32>,
    return
  }
  func.func @transform_0(%arg0: i32) -> (i32, i32, i32) {
    %c0_i32 = arith.constant 0 : i32
    %c0_i32_0 = arith.constant 0 : i32
    %c0_i32_1 = arith.constant 0 : i32
    return %arg0, %c0_i32, %c0_i32_0 : i32, i32, i32
  }
  func.func @transform_1(%arg0: i32) -> (i32, i32) {
    %c0_i32 = arith.constant 0 : i32
    %c0_i32_0 = arith.constant 0 : i32
    %c0_i32_1 = arith.constant 0 : i32
    return %c0_i32, %c0_i32_0 : i32, i32
  }
  func.func @transform_2(%arg0: i32) -> (i32, i32) {
    %c0_i32 = arith.constant 0 : i32
    %c0_i32_0 = arith.constant 0 : i32
    %c0_i32_1 = arith.constant 0 : i32
    return %c0_i32, %c0_i32_0 : i32, i32
  }
  func.func @transform_3(%arg0: i32) -> (i32, i32) {
    %c0_i32 = arith.constant 0 : i32
    %c0_i32_0 = arith.constant 0 : i32
    %c0_i32_1 = arith.constant 0 : i32
    return %c0_i32, %c0_i32_0 : i32, i32
  }
  func.func @transform_4(%arg0: i32) -> (i32, i32) {
    %c0_i32 = arith.constant 0 : i32
    %c0_i32_0 = arith.constant 0 : i32
    %c0_i32_1 = arith.constant 0 : i32
    return %c0_i32, %c0_i32_0 : i32, i32
  }
  func.func @transform_5(%arg0: i32) -> (i32, i32) {
    %c0_i32 = arith.constant 0 : i32
    %c0_i32_0 = arith.constant 0 : i32
    %c0_i32_1 = arith.constant 0 : i32
    return %c0_i32, %c0_i32_0 : i32, i32
  }
  func.func @transform_6(%arg0: i32) -> (i32, i32) {
    %c0_i32 = arith.constant 0 : i32
    %c0_i32_0 = arith.constant 0 : i32
    %c0_i32_1 = arith.constant 0 : i32
    return %c0_i32, %c0_i32_0 : i32, i32
  }
  func.func @transform_7(%arg0: i32) -> (i32, i32, i32) {
    %c0_i32 = arith.constant 0 : i32
    %c0_i32_0 = arith.constant 0 : i32
    %c0_i32_1 = arith.constant 0 : i32
    return %arg0, %c0_i32, %c0_i32_0 : i32, i32, i32
  }
}

</mosaic_0001>

<sc_bundles>
// kernel: sparse-core-data-format-call.1.cloned.1.call-start
scs
called_computation.1_lowered:
.L_overlay_start_0:
0x0: {  	s1 =	sld [smem:$0x3FD9]  }
0x1: {  	s2 =	sld [smem:$0x3FFE];
	_ =	sdelay $0x1  }
0x2: {  	s3 =	srdreg.scid  }
0x3: {  	s0 =	sand.u32 $0x1, s3  }
0x4: {  	s17 =	sshll.u32 s0, $0xA;
	s1 =	sadd.s32 s2, s1  }
0x5: {  	s1 =	sadd.s32 s1, s17  }
0x6: {  	[smem:$0x3FC1] =	sst s1  }
0x7: {  	_ = 	snop  }
0x8: {  	(tm) =	ssettm $0x1  }
0x9: {  	s18 =	sld [smem:$0x3FFB];
	_ =	sdelay $0x3  }
0xa: {  	_ =	strace s18  }
0xb: {  	s1 =	sld [smem:$0x3FFC];
	_ =	sdelay $0x3  }
0xc: {  	_ =	strace s1  }
0xd: {  	s1 =	sld [smem:$0x3FFD];
	_ =	sdelay $0x3  }
0xe: {  	_ =	strace s1  }
0xf: {  	_ =	strace $0x8FFFFFFF  }
0x10: {  	s19 =	sld [smem:$0x3FDB];
	_ =	sdelay $0x1  }
0x11: {  	s20 =	simm.s32 $_scs_section_size  }
0x12: {  	s4 =	simm.s32 $_size__tile_overlayer_lowered;
	s5 =	simm.s32 $_tile_overlayer_lowered  }
0x13: {  	s23 =	simm.s32 $0x1BFF;
	s22 =	sshll.u32 s5, $0x1;
	s1 =	sadd.s32 s20, s19  }
0x14: {  	s6 =	simm.s32 $0x0;
	s21 =	sshll.u32 s4, $0x1;
	s4 =	sadd.s32 s22, s1  }
0x15: {  	[timem:s6], [sflag:s23] =	dma.local [hbm:s4], s21  }
0x16: {  	_ =	swait.ge [sflag:s23], s21  }
0x17: {  	s2 =	ssub.s32 $0x0, s21;
	[sflag:s23] =	ssyncset.done $0x0  }
0x18: {  	[sflag:s23] =	ssyncadd.s32 s2;
	_ =	sdelay $0x1  }
0x19: {  	s24 =	simm.s32 $0x1B8B  }
0x1a: {  	_ =	swait.ge [sflag:s24], $0x1  }
0x1b: {  	[sflag:s24] =	ssyncset.done $0x0  }
0x1c: {  	s26 =	simm.s32 $0x1B8E;
	s25 =	sld [smem:$0x3FFE];
	[sflag:s24] =	ssyncadd.s32 $0xFFFFFFFF  }
0x1d: {  	s27 =	simm.s32 $execute0_lowered;
	[smem:$0x3FD2] =	sst s26  }
0x1e: {  	s4 =	sshll.u32 s27, $0x1;
	_ =	strace $0x80000049;
	[dreg:$0x1] =	wrdreg $0xFFFFFFFF  }
0x1f: {  	s28 =	simm.s32 $_size_execute0_lowered;
	s1 =	sadd.s32 s1, s4;
	[dreg:$0x0] =	wrdreg $0x0  }
0x20: {  	s4 =	sshll.u32 s28, $0x1;
	[dreg:$0x2] =	wrdreg s1  }
0x21: {  	[dreg:$0x3] =	wrdreg s4  }
0x22: {  	[dreg:$0x4] =	wrdreg $0xC0  }
0x23: {  	_ =	task [dreg:s6], $0x5FFFF  }
0x24: {  	[dreg:$0x1] =	wrdreg $0xFFFFFFFF  }
0x25: {  	[dreg:$0x0] =	wrdreg $0x60  }
0x26: {  	[dreg:$0x2] =	wrdreg s25  }
0x27: {  	[dreg:$0x3] =	wrdreg $0x9  }
0x28: {  	_ =	task.clear_ibuf [dreg:s6], $0x4FFFF;
	_ =	strace $0x90000049  }
0x29: {  	s29 =	simm.s32 $0x9;
	_ =	strace $0x8000004B  }
0x2a: {  	_ =	swait.ge [sflag:s29], $0x1  }
0x2b: {  	[sflag:s29] =	ssyncadd.s32 $0xFFFFFFFF  }
0x2c: {  	_ =	strace $0x9000004B  }
0x2d: {  	_ =	sfence  }
0x2e: {  	s30 =	sld [smem:$0x0];
	_ =	sdelay $0x2  }
0x2f: {  	s31 =	sshll.u32 s3, $0xD;
	s3 =	sshrl.u32 s3, $0x2  }
0x30: {  	s2 =	sand.u32 $0x4000, s31;
	s1 =	sadd.s32 s3, s30  }
0x31: {  	s0 =	sor.u32 s2, s0;
	s1 =	sshll.u32 s1, $0x11  }
0x32: {  	s0 =	sor.u32 s1, s0  }
0x33: {  	s0 =	sadd.s32 $0x8F2B, s0  }
0x34: {  	[sflag:s0] =	ssyncadd.remote.s32 $0x1  }
0x35: {  	_ =	sfence.sel $0xFFFF  }
0x36: {  	[dreg:$0x0] =	wrdreg $0xFFFFFFFF;
	(pc) =	sbr.abs _section_cstart, $3  }
0x37: {  	[dreg:$0x1] =	wrdreg $0xFFFFFFFF  }
0x38: {  	_ =	task.clear_ibuf [dreg:s6], $0x2FFFF;
	_ =	strace $0x9FFFFFFF  }
0x39: {  	(tm) =	ssettm $0x7FFFFFFF  }
tec
execute0_lowered:
.L_overlay_start_1:
0x0: {  	(tag) =	ssettag $0x1  }
0x1: {  	s0 =	srdreg.scid  }
0x2: {  	s8 =	stileid.u32;
	s1 =	rddreg [dreg:$0x0]  }
0x3: {  	_ =	strace $0x8000004A;
	s31 =	simm.s32 $0x2;
	s0 =	sshll.u32 s0, $0x4  }
0x4: {  	s23 =	simm.s32 $0x0;
	s15 =	simm.s32 $0x0;
	s0 =	sor.u32 s8, s0  }
0x5: {  	s22 =	simm.s32 $0x0;
	s24 =	simm.s32 $0x0;
	s0 =	sshrl.u32 s0, $0x1  }
0x6: {  	s25 =	simm.s32 $0x0;
	s26 =	simm.s32 $0x0;
	s2 =	sand.u32 $0xC, s0  }
0x7: {  	s16 =	simm.s32 $0x0;
	s3 =	sand.u32 $0x1, s8;
	s0 =	ssub.s32 $0x38, s2  }
0x8: {  	s18 =	simm.s32 $0x0;
	s4 =	ssub.s32 $0x2, s3;
	s5 =	sand.u32 $0xC, s0  }
0x9: {  	s6 =	sshrl.u32 s4, $0x1;
	p0 =	sne.s32 s5, $0x0;
	s5 =	simm.s32 $0x1  }
0xa: {  	s7 =	sand.u32 $0x1, s4;
	s0 =	sshrl.u32 s0, $0x4;
	s5 =	simm.s32 @!p0 $0x0  }
0xb: {  	s21 =	simm.s32 $0x0;
	s7 =	sadd.s32 s7, s6;
	s0 =	sadd.s32 s5, s0  }
0xc: {  	s29 =	sadd.s32 $0x189600, s1;
	s30 =	sshrl.u32 s8, $0x1;
	s0 =	smul.u32 s0, s7  }
.Ltmp0:
0xd: {  	s9 =	sadd.s32 $0xDA00, s1;
	s10 =	sadd.s32 $0x19E00, s1;
	(pc) =	sbr.rel .LBB1_1-.Ltmp0, $4  }
0xe: {  	s11 =	sadd.s32 $0x26200, s1;
	[dreg:$0x2] =	wrdreg s29;
	s20 =	smov.u32 s3  }
0xf: {  	s4 =	sadd.s32 $0x1600, s1;
	s6 =	simm.s32 $0x1;
	s8 =	smul.u32 $0x7, s0  }
0x10: {  	[sflag:s6] =	ssyncpa.u1 $0x0;
	s17 =	smov.u32 s2;
	s7 =	sand.u32 $0x3, s30  }
0x11: {  	[sflag:s31] =	ssyncpa.u1 $0x0;
	s19 =	smov.u32 s7;
	s12 =	sadd.s32 $0x1, s8  }
.LBB1_9:
0x12: {  	s0 =	sadd.s32 $0x8, s16  }
0x13: {  	s1 =	sadd.s32 $0x10, s17;
	s5 =	smov.u32 s17;
	p1 =	sgt.s32 s0, $0x37  }
0x14: {  	s5 =	smov.u32 @p1 s1  }
0x15: {  	s13 =	smov.u32 s18;
	s1 =	sadd.s32 $0x4, s18;
	p2 =	sgt.s32 s5, $0x37  }
0x16: {  	s13 =	smov.u32 @p2 s1  }
0x17: {  	s14 =	smov.u32 s19;
	s1 =	sadd.s32 $0x4, s19;
	p3 =	sgt.s32 s13, $0x3  }
0x18: {  	p0 =	slt.u32 s21, $0x2;
	s27 =	smov.u32 s20;
	s14 =	smov.u32 @p3 s1  }
0x19: {  	s23 =	smov.u32 s16;
	s1 =	sadd.s32 $0x2, s20;
	p4 =	sgt.s32 s14, $0x3  }
0x1a: {  	s22 =	smov.u32 s17;
	s24 =	smov.u32 s18;
	s27 =	smov.u32 @p4 s1  }
0x1b: {  	s25 =	smov.u32 s19;
	s0 =	simm.s32 @p1 $0x0;
	p1 =	sgt.s32 s27, $0x1  }
0x1c: {  	s26 =	smov.u32 s20;
	s27 =	smov.u32 @p1 s3;
	p1 =	sne.s32 s21, s12  }
.Ltmp1:
0x1d: {  	s15 =	sadd.s32 $0x4000, s15;
	s5 =	smov.u32 @p2 s2;
	(pc) =	sbr.rel @!p1 .LBB1_10-.Ltmp1, $4  }
0x1e: {  	s16 =	smov.u32 s0;
	s17 =	smov.u32 s5;
	s1 =	simm.s32 @!p0 $0x2  }
0x1f: {  	s13 =	simm.s32 @p3 $0x0;
	s14 =	smov.u32 @p4 s7;
	_ =	swait.ge @!p0 [sflag:s1], $0x4000  }
0x20: {  	s18 =	smov.u32 s13;
	s19 =	smov.u32 s14;
	[sflag:s1] =	ssyncset.done @!p0 $0x0  }
0x21: {  	s21 =	sadd.s32 $0x1, s21;
	[sflag:s1] =	ssyncadd.s32 @!p0 $0xFFFFC000;
	s20 =	smov.u32 s27  }
.LBB1_1:
0x22: {  	p0 =	sge.u32 s21, s8  }
0x23: {  	s5 =	smul.u32 @!p0 $0xC4000, s20  }
0x24: {  	s0 =	sand.u32 @!p0 $0x1FFFFFF, s16;
	s13 =	smul.u32 @!p0 $0x31000, s19  }
0x25: {  	s1 =	smulhi.u32 @!p0 $0x4924925, s0  }
0x26: {  	s14 =	smul.u32 @!p0 $0xC400, s18  }
0x27: {  	s27 =	sxor.u32 @!p0 $0xFFFFFFFF, s21;
	s1 =	smul.u32 @!p0 $0x38, s1  }
0x28: {  	s5 =	sadd.s32 @!p0 s5, s13;
	s13 =	smul.u32 @!p0 $0x380, s17;
	s28 =	sadd.s32 @!p0 s4, s14  }
0x29: {  	s29 =	simm.s32 @!p0 $0x1C00;
	s0 =	ssub.s32 @!p0 s0, s1;
	s1 =	sadd.s32 @!p0 s5, s28  }
0x2a: {  	s27 =	sshll.u32 @!p0 s27, $0xE;
	s0 =	sshll.u32 @!p0 s0, $0x4;
	s1 =	sadd.s32 @!p0 s13, s1  }
0x2b: {  	s27 =	sand.u32 @!p0 $0x4000, s27;
	s28 =	simm.s32 @!p0 $0x400;
	s1 =	sadd.s32 @!p0 s0, s1  }
0x2c: {  	[tilespmem:s27], [sflag:$0x1] =	stream.strided.gather @!p0 [hbm4b:s1+s28], $0x1000, s29, s28, $0x38;
	[tilespmem:$0x10000] =	vst v63  }
0x2d: {  	s1 =	sadd.s32 @!p0 s14, s9  }
0x2e: {  	s1 =	sadd.s32 @!p0 s5, s1  }
0x2f: {  	s1 =	sadd.s32 @!p0 s13, s1  }
0x30: {  	s30 =	sor.u32 @!p0 $0x1000, s27;
	s1 =	sadd.s32 @!p0 s0, s1  }
0x31: {  	[tilespmem:s30], [sflag:$0x1] =	stream.strided.gather @!p0 [hbm4b:s1+s28], $0x1000, s29, s28, $0x38;
	[tilespmem:$0x10000] =	vst v63  }
0x32: {  	s1 =	sadd.s32 @!p0 s14, s10  }
0x33: {  	s1 =	sadd.s32 @!p0 s5, s1  }
0x34: {  	s1 =	sadd.s32 @!p0 s13, s1  }
0x35: {  	s30 =	sor.u32 @!p0 $0x2000, s27;
	s1 =	sadd.s32 @!p0 s0, s1  }
0x36: {  	[tilespmem:s30], [sflag:$0x1] =	stream.strided.gather @!p0 [hbm4b:s1+s28], $0x1000, s29, s28, $0x38;
	[tilespmem:$0x10000] =	vst v63  }
0x37: {  	s1 =	sadd.s32 @!p0 s14, s11  }
0x38: {  	s1 =	sadd.s32 @!p0 s5, s1  }
0x39: {  	s1 =	sadd.s32 @!p0 s13, s1  }
0x3a: {  	s31 =	sadd.s32 $0xFFFFFFFF, s21;
	s0 =	sadd.s32 @!p0 s0, s1;
	s1 =	sor.u32 @!p0 $0x3000, s27  }
0x3b: {  	[tilespmem:s1], [sflag:$0x1] =	stream.strided.gather @!p0 [hbm4b:s0+s28], $0x1000, s29, s28, $0x38;
	[tilespmem:$0x10000] =	vst v63  }
0x3c: {  	p0 =	sge.u32 s31, s8  }
.Ltmp2:
0x3d: {  	_ = 	snop;
	(pc) =	sbr.rel @p0 .LBB1_9-.Ltmp2, $1  }
0x3e: {  	_ =	sdelay $0x3  }
0x3f: {  	s0 =	sand.u32 $0x4000, s15  }
0x40: {  	_ =	swait.ge [sflag:s6], $0x4000;
	s5 =	sshll.u32 s21, $0xE;
	s30 =	simm.s32 $0x0  }
0x41: {  	s1 =	sor.u32 $0x8070, s0;
	[sflag:s6] =	ssyncset.done $0x0;
	s31 =	sand.u32 $0x4000, s5  }
0x42: {  	s29 =	sor.u32 $0x40, s0;
	[sflag:s6] =	ssyncadd.s32 $0xFFFFC000;
	s27 =	sor.u32 $0x8000, s31  }
.LBB1_3:
0x43: {  	s31 =	smov.u32 s29;
	s28 =	smov.u32 s1;
	s0 =	simm.s32 $0x0  }
.LBB1_4:
0x44: {  	v1 =	vmov s31;
	_ =	sdelay $0x3  }
0x45: {  	s13 =	simm.s32 $0x0  }
0x46: {  	v7 =	vld.idx.msk [tilespmem:v1+s13+$0x30 ss:$0x1], $0xffff  }
0x47: {  	v0 =	vmov s28;
	v8 =	vld.idx.msk [tilespmem:v1+s13+$0xFFFFFFC0 ss:$0x1], $0xffff  }
0x48: {  	v6 =	vld.idx.msk [tilespmem:v1+s13+$0xFFFFFFD0 ss:$0x1], $0xffff  }
0x49: {  	v5 =	vld.idx.msk [tilespmem:v1+s13+$0xFFFFFFE0 ss:$0x1], $0xffff  }
0x4a: {  	v4 =	vld.idx.msk [tilespmem:v1+s13+$0xFFFFFFF0 ss:$0x1], $0xffff  }
0x4b: {  	v2 =	vld.idx.msk [tilespmem:v1+s13+$0x0 ss:$0x1], $0xffff  }
0x4c: {  	v3 =	vld.idx.msk [tilespmem:v1+s13+$0x10 ss:$0x1], $0xffff;
	[tilespmem:v0+s13+$0x0 ss:$0x1] =	vst.idx.msk $0xffff, v7  }
0x4d: {  	s14 =	simm.s32 $0x80;
	s5 =	simm.s32 $0x400;
	[tilespmem:v0+s13+$0xFFFFFF90 ss:$0x1] =	vst.idx.msk $0xffff, v8;
	v7 =	vld.idx.msk [tilespmem:v1+s13+$0x20 ss:$0x1], $0xffff  }
.LBB1_5:
0x4e: {  	p0 =	sne.s32 s5, $0xE00;
	v8 =	vld.idx.msk [tilespmem:v1+s14+$0x30 ss:$0x1], $0xffff;
	[tilespmem:v0+s13+$0xFFFFFFA0 ss:$0x1] =	vst.idx.msk $0xffff, v6  }
0x4f: {  	v9 =	vld.idx.msk [tilespmem:v1+s14+$0xFFFFFFC0 ss:$0x1], $0xffff;
	[tilespmem:v0+s13+$0xFFFFFFB0 ss:$0x1] =	vst.idx.msk $0xffff, v5  }
0x50: {  	v6 =	vld.idx.msk [tilespmem:v1+s14+$0xFFFFFFD0 ss:$0x1], $0xffff;
	[tilespmem:v0+s13+$0xFFFFFFC0 ss:$0x1] =	vst.idx.msk $0xffff, v4  }
.Ltmp3:
0x51: {  	v5 =	vld.idx.msk [tilespmem:v1+s14+$0xFFFFFFE0 ss:$0x1], $0xffff;
	[tilespmem:v0+s13+$0xFFFFFFD0 ss:$0x1] =	vst.idx.msk $0xffff, v2;
	(pc) =	sbr.rel @p0 .LBB1_5-.Ltmp3, $4  }
0x52: {  	v4 =	vld.idx.msk [tilespmem:v1+s14+$0xFFFFFFF0 ss:$0x1], $0xffff;
	[tilespmem:v0+s13+$0xFFFFFFE0 ss:$0x1] =	vst.idx.msk $0xffff, v3  }
0x53: {  	v2 =	vld.idx.msk [tilespmem:v1+s14+$0x0 ss:$0x1], $0xffff;
	[tilespmem:v0+s13+$0xFFFFFFF0 ss:$0x1] =	vst.idx.msk $0xffff, v7;
	s13 =	smov.u32 s14  }
0x54: {  	v3 =	vld.idx.msk [tilespmem:v1+s13+$0x10 ss:$0x1], $0xffff;
	[tilespmem:v0+s13+$0x0 ss:$0x1] =	vst.idx.msk $0xffff, v8  }
0x55: {  	s14 =	sshra.s32 s5, $0x2;
	s5 =	sadd.s32 $0x200, s5;
	[tilespmem:v0+s13+$0xFFFFFF90 ss:$0x1] =	vst.idx.msk $0xffff, v9;
	v7 =	vld.idx.msk [tilespmem:v1+s13+$0x20 ss:$0x1], $0xffff  }
0x56: {  	_ =	sdelay $0x3  }
0x57: {  	[tilespmem:v0+s13+$0xFFFFFFA0 ss:$0x1] =	vst.idx.msk $0xffff, v6  }
0x58: {  	v56 =	vld.idx.msk [tilespmem:v1+s14+$0x30 ss:$0x1], $0xffff;
	[tilespmem:v0+s13+$0xFFFFFFB0 ss:$0x1] =	vst.idx.msk $0xffff, v5  }
0x59: {  	v57 =	vld.idx.msk [tilespmem:v1+s14+$0xFFFFFFC0 ss:$0x1], $0xffff;
	[tilespmem:v0+s13+$0xFFFFFFC0 ss:$0x1] =	vst.idx.msk $0xffff, v4  }
0x5a: {  	v58 =	vld.idx.msk [tilespmem:v1+s14+$0xFFFFFFD0 ss:$0x1], $0xffff;
	[tilespmem:v0+s13+$0xFFFFFFD0 ss:$0x1] =	vst.idx.msk $0xffff, v2  }
0x5b: {  	v59 =	vld.idx.msk [tilespmem:v1+s14+$0xFFFFFFE0 ss:$0x1], $0xffff;
	[tilespmem:v0+s13+$0xFFFFFFE0 ss:$0x1] =	vst.idx.msk $0xffff, v3  }
0x5c: {  	v60 =	vld.idx.msk [tilespmem:v1+s14+$0xFFFFFFF0 ss:$0x1], $0xffff;
	[tilespmem:v0+s13+$0xFFFFFFF0 ss:$0x1] =	vst.idx.msk $0xffff, v7  }
0x5d: {  	v61 =	vld.idx.msk [tilespmem:v1+s14+$0x0 ss:$0x1], $0xffff;
	[tilespmem:v0+s14+$0x0 ss:$0x1] =	vst.idx.msk $0xffff, v56  }
0x5e: {  	v62 =	vld.idx.msk [tilespmem:v1+s14+$0x10 ss:$0x1], $0xffff;
	s0 =	sadd.s32 $0x1, s0;
	[tilespmem:v0+s14+$0xFFFFFF90 ss:$0x1] =	vst.idx.msk $0xffff, v57  }
0x5f: {  	v63 =	vld.idx.msk [tilespmem:v1+s14+$0x20 ss:$0x1], $0xffff;
	p0 =	sne.s32 s0, $0x4;
	[tilespmem:v0+s14+$0xFFFFFFA0 ss:$0x1] =	vst.idx.msk $0xffff, v58  }
.Ltmp4:
0x60: {  	[tilespmem:v0+s14+$0xFFFFFFB0 ss:$0x1] =	vst.idx.msk $0xffff, v59;
	(pc) =	sbr.rel @p0 .LBB1_4-.Ltmp4, $4  }
0x61: {  	[tilespmem:v0+s14+$0xFFFFFFC0 ss:$0x1] =	vst.idx.msk $0xffff, v60  }
0x62: {  	[tilespmem:v0+s14+$0xFFFFFFD0 ss:$0x1] =	vst.idx.msk $0xffff, v61  }
0x63: {  	[tilespmem:v0+s14+$0xFFFFFFE0 ss:$0x1] =	vst.idx.msk $0xffff, v62  }
0x64: {  	s28 =	sadd.s32 $0x1000, s28;
	s31 =	sadd.s32 $0x400, s31;
	[tilespmem:v0+s14+$0xFFFFFFF0 ss:$0x1] =	vst.idx.msk $0xffff, v63  }
0x65: {  	s30 =	sadd.s32 $0x1, s30  }
0x66: {  	p0 =	sne.s32 s30, $0x4  }
.Ltmp5:
0x67: {  	_ = 	snop;
	(pc) =	sbr.rel @p0 .LBB1_3-.Ltmp5, $2  }
0x68: {  	_ =	sdelay $0x2  }
0x69: {  	s1 =	sadd.s32 $0x400, s1;
	s29 =	sadd.s32 $0x1000, s29  }
0x6a: {  	s5 =	smul.u32 $0xC4000, s26  }
0x6b: {  	s13 =	smul.u32 $0x31000, s25  }
0x6c: {  	s0 =	sand.u32 $0x1FFFFFF, s23;
	s14 =	smul.u32 $0x380, s24  }
0x6d: {  	s1 =	smulhi.u32 $0x4924925, s0  }
0x6e: {  	s28 =	rddreg [dreg:$0x2];
	s22 =	smul.u32 $0xE00, s22  }
0x6f: {  	s5 =	sadd.s32 s28, s5;
	s1 =	smul.u32 $0x38, s1  }
.Ltmp6:
0x70: {  	s5 =	sadd.s32 s13, s5;
	(pc) =	sbr.rel .LBB1_9-.Ltmp6, $4  }
0x71: {  	s29 =	sadd.s32 s14, s5;
	s0 =	ssub.s32 s0, s1  }
0x72: {  	s1 =	sadd.s32 s22, s29;
	s0 =	sshll.u32 s0, $0x4  }
0x73: {  	s30 =	simm.s32 $0x400;
	s31 =	simm.s32 $0x1C00;
	s0 =	sadd.s32 s0, s1  }
0x74: {  	[hbm4b:s0+s30] =	stream.strided.scatter [tilespmem:s27], [sflag:$0x2], $0x4000, s31, s30, $0x38;
	[tilespmem:$0x10000] =	vst v63  }
.LBB1_10:
0x75: {  	_ =	sfence.sel $0x180000  }
0x76: {  	s0 =	simm.s32 $0x1;
	[bflag:$0x0] =	sbarrier.arrive $0xFFFF  }
0x77: {  	s30 =	simm.s32 $0x2;
	[sflag:s0] =	ssyncpa.u1 $0x1  }
0x78: {  	[sflag:s30] =	ssyncpa.u1 $0x1  }
0x79: {  	_ =	strace $0x9000004A  }
0x7a: {  	s31 =	stileid.u32;
	[bflag:$0x2] =	sbarrier.arrive $0xFFFF  }
0x7b: {  	p0 =	sne.s32 s31, $0x0;
	s0 =	rddreg [dreg:$0x1]  }
0x7c: {  	s0 =	sadd.s32 @!p0 $0x100000, s0  }
0x7d: {  	[sflag:s0] =	ssyncadd.tile.s32 @!p0 $0x1;
	_ =	shalt  }
.Lfunc_end1:
_tile_overlayer_lowered:
.L_overlay_start_2:
0x7e: {  	(tag) =	ssettag $0x2  }
0x7f: {  	s0 =	rddreg [dreg:$0x0];
	s2 =	stileid.u32  }
0x80: {  	s1 =	rddreg [dreg:$0x1];
	p0 =	sne.s32 s2, $0x0  }
0x81: {  	s3 =	rddreg [dreg:$0x2];
	[bflag:$0x3] =	sbarrier.arrive $0xFFFF;
	s2 =	simm.s32 @!p0 $0x1C01  }
0x82: {  	[timem:s3], [sflag:s2] =	dma.local @!p0 [hbm:s0], s1  }
0x83: {  	s0 =	simm.s32 @!p0 $0x1  }
0x84: {  	_ =	swait.ge @!p0 [sflag:s0], s1  }
0x85: {  	s1 =	ssub.s32 @!p0 $0x0, s1;
	[sflag:s0] =	ssyncset.done @!p0 $0x0  }
0x86: {  	[sflag:s0] =	ssyncadd.s32 @!p0 s1  }
0x87: {  	[bflag:$0x3] =	sbarrier.arrive $0xFFFF  }
0x88: {  	_ =	shalt  }

// kernel: sparse-core-data-format-call.2.cloned.1.call-start
scs
called_computation.2_lowered:
.L_overlay_start_0:
0x0: {  	s1 =	sld [smem:$0x3FD9]  }
0x1: {  	s2 =	sld [smem:$0x3FFE];
	_ =	sdelay $0x1  }
0x2: {  	s3 =	srdreg.scid  }
0x3: {  	s0 =	sand.u32 $0x1, s3  }
0x4: {  	s17 =	sshll.u32 s0, $0xA;
	s1 =	sadd.s32 s2, s1  }
0x5: {  	s1 =	sadd.s32 s1, s17  }
0x6: {  	[smem:$0x3FC1] =	sst s1  }
0x7: {  	_ = 	snop  }
0x8: {  	(tm) =	ssettm $0x1  }
0x9: {  	s18 =	sld [smem:$0x3FFB];
	_ =	sdelay $0x3  }
0xa: {  	_ =	strace s18  }
0xb: {  	s1 =	sld [smem:$0x3FFC];
	_ =	sdelay $0x3  }
0xc: {  	_ =	strace s1  }
0xd: {  	s1 =	sld [smem:$0x3FFD];
	_ =	sdelay $0x3  }
0xe: {  	_ =	strace s1  }
0xf: {  	_ =	strace $0x8FFFFFFF  }
0x10: {  	s19 =	sld [smem:$0x3FDB];
	_ =	sdelay $0x1  }
0x11: {  	s20 =	simm.s32 $_scs_section_size  }
0x12: {  	s4 =	simm.s32 $_size__tile_overlayer_lowered;
	s5 =	simm.s32 $_tile_overlayer_lowered  }
0x13: {  	s23 =	simm.s32 $0x1BFF;
	s22 =	sshll.u32 s5, $0x1;
	s1 =	sadd.s32 s20, s19  }
0x14: {  	s6 =	simm.s32 $0x0;
	s21 =	sshll.u32 s4, $0x1;
	s4 =	sadd.s32 s22, s1  }
0x15: {  	[timem:s6], [sflag:s23] =	dma.local [hbm:s4], s21  }
0x16: {  	_ =	swait.ge [sflag:s23], s21  }
0x17: {  	s2 =	ssub.s32 $0x0, s21;
	[sflag:s23] =	ssyncset.done $0x0  }
0x18: {  	[sflag:s23] =	ssyncadd.s32 s2;
	_ =	sdelay $0x1  }
0x19: {  	s24 =	simm.s32 $0x1B8B  }
0x1a: {  	_ =	swait.ge [sflag:s24], $0x1  }
0x1b: {  	[sflag:s24] =	ssyncset.done $0x0  }
0x1c: {  	s26 =	simm.s32 $0x1B8E;
	s25 =	sld [smem:$0x3FFE];
	[sflag:s24] =	ssyncadd.s32 $0xFFFFFFFF  }
0x1d: {  	s27 =	simm.s32 $execute0_lowered;
	[smem:$0x3FD2] =	sst s26  }
0x1e: {  	s4 =	sshll.u32 s27, $0x1;
	_ =	strace $0x80000046;
	[dreg:$0x1] =	wrdreg $0xFFFFFFFF  }
0x1f: {  	s28 =	simm.s32 $_size_execute0_lowered;
	s1 =	sadd.s32 s1, s4;
	[dreg:$0x0] =	wrdreg $0x0  }
0x20: {  	s4 =	sshll.u32 s28, $0x1;
	[dreg:$0x2] =	wrdreg s1  }
0x21: {  	[dreg:$0x3] =	wrdreg s4  }
0x22: {  	[dreg:$0x4] =	wrdreg $0xC0  }
0x23: {  	_ =	task [dreg:s6], $0x5FFFF  }
0x24: {  	[dreg:$0x1] =	wrdreg $0xFFFFFFFF  }
0x25: {  	[dreg:$0x0] =	wrdreg $0x60  }
0x26: {  	[dreg:$0x2] =	wrdreg s25  }
0x27: {  	[dreg:$0x3] =	wrdreg $0x9  }
0x28: {  	_ =	task.clear_ibuf [dreg:s6], $0x4FFFF;
	_ =	strace $0x90000046  }
0x29: {  	s29 =	simm.s32 $0x9;
	_ =	strace $0x80000048  }
0x2a: {  	_ =	swait.ge [sflag:s29], $0x1  }
0x2b: {  	[sflag:s29] =	ssyncadd.s32 $0xFFFFFFFF  }
0x2c: {  	_ =	strace $0x90000048  }
0x2d: {  	_ =	sfence  }
0x2e: {  	s30 =	sld [smem:$0x0];
	_ =	sdelay $0x2  }
0x2f: {  	s31 =	sshll.u32 s3, $0xD;
	s3 =	sshrl.u32 s3, $0x2  }
0x30: {  	s2 =	sand.u32 $0x4000, s31;
	s1 =	sadd.s32 s3, s30  }
0x31: {  	s0 =	sor.u32 s2, s0;
	s1 =	sshll.u32 s1, $0x11  }
0x32: {  	s0 =	sor.u32 s1, s0  }
0x33: {  	s0 =	sadd.s32 $0x8F2B, s0  }
0x34: {  	[sflag:s0] =	ssyncadd.remote.s32 $0x1  }
0x35: {  	_ =	sfence.sel $0xFFFF  }
0x36: {  	[dreg:$0x0] =	wrdreg $0xFFFFFFFF;
	(pc) =	sbr.abs _section_cstart, $3  }
0x37: {  	[dreg:$0x1] =	wrdreg $0xFFFFFFFF  }
0x38: {  	_ =	task.clear_ibuf [dreg:s6], $0x2FFFF;
	_ =	strace $0x9FFFFFFF  }
0x39: {  	(tm) =	ssettm $0x7FFFFFFF  }
tec
execute0_lowered:
.L_overlay_start_1:
0x0: {  	(tag) =	ssettag $0x1  }
0x1: {  	s0 =	srdreg.scid;
	s8 =	stileid.u32  }
0x2: {  	s1 =	rddreg [dreg:$0x0];
	_ =	strace $0x80000047;
	s28 =	simm.s32 $0x2  }
0x3: {  	s23 =	simm.s32 $0x0;
	s13 =	simm.s32 $0x400;
	s14 =	simm.s32 $0x1C00  }
0x4: {  	s15 =	simm.s32 $0x0;
	s22 =	simm.s32 $0x0;
	s0 =	sshll.u32 s0, $0x4  }
0x5: {  	s24 =	simm.s32 $0x0;
	s25 =	simm.s32 $0x0;
	s0 =	sor.u32 s8, s0  }
0x6: {  	s16 =	simm.s32 $0x0;
	s17 =	simm.s32 $0x0;
	s0 =	sshrl.u32 s0, $0x1  }
0x7: {  	s21 =	simm.s32 $0x0;
	s3 =	sand.u32 $0x1, s8;
	s2 =	sand.u32 $0xC, s0  }
0x8: {  	s26 =	sshrl.u32 s8, $0x1;
	s27 =	sadd.s32 $0x189600, s1;
	s0 =	ssub.s32 $0x38, s2  }
0x9: {  	s29 =	sadd.s32 $0x195A00, s1;
	s4 =	ssub.s32 $0x2, s3;
	s5 =	sand.u32 $0xC, s0  }
0xa: {  	s6 =	sshrl.u32 s4, $0x1;
	p0 =	sne.s32 s5, $0x0;
	s5 =	simm.s32 $0x1  }
0xb: {  	s7 =	sand.u32 $0x1, s4;
	s0 =	sshrl.u32 s0, $0x4;
	s5 =	simm.s32 @!p0 $0x0  }
0xc: {  	[dreg:$0x2] =	wrdreg s27;
	s6 =	sadd.s32 s7, s6;
	s0 =	sadd.s32 s5, s0  }
0xd: {  	s30 =	sadd.s32 $0x1A1E00, s1;
	[dreg:$0x3] =	wrdreg s29;
	s0 =	smul.u32 s0, s6  }
.Ltmp0:
0xe: {  	s31 =	sadd.s32 $0x1AE200, s1;
	[dreg:$0x4] =	wrdreg s30;
	(pc) =	sbr.rel .LBB1_1-.Ltmp0, $4  }
0xf: {  	[dreg:$0x5] =	wrdreg s31;
	s20 =	smov.u32 s3;
	s4 =	sadd.s32 $0x1600, s1  }
0x10: {  	s7 =	sand.u32 $0x3, s26;
	s5 =	simm.s32 $0x1;
	s8 =	smul.u32 $0x7, s0  }
0x11: {  	s26 =	simm.s32 $0x0;
	s18 =	smov.u32 s2;
	[sflag:s5] =	ssyncpa.u1 $0x0  }
0x12: {  	s19 =	smov.u32 s7;
	[sflag:s28] =	ssyncpa.u1 $0x0;
	s12 =	sadd.s32 $0x1, s8  }
.LBB1_9:
0x13: {  	s0 =	sadd.s32 $0x8, s16  }
0x14: {  	s1 =	sadd.s32 $0x4, s17;
	s6 =	smov.u32 s17;
	p1 =	sgt.s32 s0, $0x37  }
0x15: {  	s6 =	smov.u32 @p1 s1  }
0x16: {  	s9 =	smov.u32 s18;
	s1 =	sadd.s32 $0x10, s18;
	p2 =	sgt.s32 s6, $0x3  }
0x17: {  	s9 =	smov.u32 @p2 s1  }
0x18: {  	s10 =	smov.u32 s19;
	s1 =	sadd.s32 $0x4, s19;
	p3 =	sgt.s32 s9, $0x37  }
0x19: {  	p0 =	slt.u32 s21, $0x2;
	s11 =	smov.u32 s20;
	s10 =	smov.u32 @p3 s1  }
0x1a: {  	s23 =	smov.u32 s16;
	s1 =	sadd.s32 $0x2, s20;
	p4 =	sgt.s32 s10, $0x3  }
0x1b: {  	s22 =	smov.u32 s17;
	s24 =	smov.u32 s18;
	s11 =	smov.u32 @p4 s1  }
0x1c: {  	s25 =	smov.u32 s19;
	s0 =	simm.s32 @p1 $0x0;
	p1 =	sgt.s32 s11, $0x1  }
0x1d: {  	s26 =	smov.u32 s20;
	s11 =	smov.u32 @p1 s3;
	p1 =	sne.s32 s21, s12  }
.Ltmp1:
0x1e: {  	s15 =	sadd.s32 $0x4000, s15;
	s6 =	simm.s32 @p2 $0x0;
	(pc) =	sbr.rel @!p1 .LBB1_10-.Ltmp1, $4  }
0x1f: {  	s16 =	smov.u32 s0;
	s17 =	smov.u32 s6;
	s1 =	simm.s32 @!p0 $0x2  }
0x20: {  	s9 =	smov.u32 @p3 s2;
	s10 =	smov.u32 @p4 s7;
	_ =	swait.ge @!p0 [sflag:s1], $0x4000  }
0x21: {  	s18 =	smov.u32 s9;
	s19 =	smov.u32 s10;
	[sflag:s1] =	ssyncset.done @!p0 $0x0  }
0x22: {  	s21 =	sadd.s32 $0x1, s21;
	[sflag:s1] =	ssyncadd.s32 @!p0 $0xFFFFC000;
	s20 =	smov.u32 s11  }
.LBB1_1:
0x23: {  	p0 =	sge.u32 s21, s8  }
0x24: {  	s6 =	smul.u32 @!p0 $0xC4000, s20  }
0x25: {  	s0 =	sand.u32 @!p0 $0x1FFFFFF, s16;
	s9 =	smul.u32 @!p0 $0x31000, s19  }
0x26: {  	s1 =	smulhi.u32 @!p0 $0x4924925, s0  }
0x27: {  	s10 =	smul.u32 @!p0 $0xE00, s18  }
0x28: {  	s31 =	sadd.s32 $0xFFFFFFFF, s21;
	s6 =	sadd.s32 @!p0 s4, s6;
	s1 =	smul.u32 @!p0 $0x38, s1  }
0x29: {  	s11 =	sxor.u32 @!p0 $0xFFFFFFFF, s21;
	s6 =	sadd.s32 @!p0 s9, s6;
	s9 =	smul.u32 @!p0 $0x380, s17  }
0x2a: {  	s11 =	sshll.u32 @!p0 s11, $0xE;
	s0 =	ssub.s32 @!p0 s0, s1;
	s1 =	sadd.s32 @!p0 s10, s6  }
0x2b: {  	s6 =	sand.u32 @!p0 $0x4000, s11;
	s0 =	sshll.u32 @!p0 s0, $0x4;
	s1 =	sadd.s32 @!p0 s9, s1  }
0x2c: {  	s9 =	simm.s32 @!p0 $0x1C00;
	s0 =	sadd.s32 @!p0 s0, s1;
	s1 =	simm.s32 @!p0 $0x400  }
0x2d: {  	[tilespmem:s6], [sflag:$0x1] =	stream.strided.gather @!p0 [hbm4b:s0+s1], $0x4000, s9, s1, $0x38;
	[tilespmem:$0x10000] =	vst v63  }
0x2e: {  	p0 =	sge.u32 s31, s8  }
.Ltmp2:
0x2f: {  	_ = 	snop;
	(pc) =	sbr.rel @p0 .LBB1_9-.Ltmp2, $1  }
0x30: {  	_ =	sdelay $0x3  }
0x31: {  	s1 =	sand.u32 $0x4000, s15  }
0x32: {  	_ =	swait.ge [sflag:s5], $0x4000;
	s6 =	sshll.u32 s21, $0xE;
	s31 =	simm.s32 $0x0  }
0x33: {  	s0 =	sor.u32 $0x8070, s1;
	[sflag:s5] =	ssyncset.done $0x0;
	s27 =	sand.u32 $0x4000, s6  }
0x34: {  	s1 =	sor.u32 $0x40, s1;
	[sflag:s5] =	ssyncadd.s32 $0xFFFFC000;
	s28 =	sor.u32 $0x8000, s27  }
.LBB1_3:
0x35: {  	s30 =	smov.u32 s1;
	s29 =	smov.u32 s0;
	s6 =	simm.s32 $0x0  }
.LBB1_4:
0x36: {  	v1 =	vmov s30;
	_ =	sdelay $0x3  }
0x37: {  	s9 =	simm.s32 $0x0  }
0x38: {  	v7 =	vld.idx.msk [tilespmem:v1+s9+$0x30 ss:$0x1], $0xffff  }
0x39: {  	v0 =	vmov s29;
	v8 =	vld.idx.msk [tilespmem:v1+s9+$0xFFFFFFC0 ss:$0x1], $0xffff  }
0x3a: {  	v6 =	vld.idx.msk [tilespmem:v1+s9+$0xFFFFFFD0 ss:$0x1], $0xffff  }
0x3b: {  	v5 =	vld.idx.msk [tilespmem:v1+s9+$0xFFFFFFE0 ss:$0x1], $0xffff  }
0x3c: {  	v4 =	vld.idx.msk [tilespmem:v1+s9+$0xFFFFFFF0 ss:$0x1], $0xffff  }
0x3d: {  	v2 =	vld.idx.msk [tilespmem:v1+s9+$0x0 ss:$0x1], $0xffff  }
0x3e: {  	v3 =	vld.idx.msk [tilespmem:v1+s9+$0x10 ss:$0x1], $0xffff;
	[tilespmem:v0+s9+$0x0 ss:$0x1] =	vst.idx.msk $0xffff, v7  }
0x3f: {  	s10 =	simm.s32 $0x80;
	s11 =	simm.s32 $0x400;
	[tilespmem:v0+s9+$0xFFFFFF90 ss:$0x1] =	vst.idx.msk $0xffff, v8;
	v7 =	vld.idx.msk [tilespmem:v1+s9+$0x20 ss:$0x1], $0xffff  }
.LBB1_5:
0x40: {  	p0 =	sne.s32 s11, $0xE00;
	v8 =	vld.idx.msk [tilespmem:v1+s10+$0x30 ss:$0x1], $0xffff;
	[tilespmem:v0+s9+$0xFFFFFFA0 ss:$0x1] =	vst.idx.msk $0xffff, v6  }
0x41: {  	v9 =	vld.idx.msk [tilespmem:v1+s10+$0xFFFFFFC0 ss:$0x1], $0xffff;
	[tilespmem:v0+s9+$0xFFFFFFB0 ss:$0x1] =	vst.idx.msk $0xffff, v5  }
0x42: {  	v6 =	vld.idx.msk [tilespmem:v1+s10+$0xFFFFFFD0 ss:$0x1], $0xffff;
	[tilespmem:v0+s9+$0xFFFFFFC0 ss:$0x1] =	vst.idx.msk $0xffff, v4  }
.Ltmp3:
0x43: {  	v5 =	vld.idx.msk [tilespmem:v1+s10+$0xFFFFFFE0 ss:$0x1], $0xffff;
	[tilespmem:v0+s9+$0xFFFFFFD0 ss:$0x1] =	vst.idx.msk $0xffff, v2;
	(pc) =	sbr.rel @p0 .LBB1_5-.Ltmp3, $4  }
0x44: {  	v4 =	vld.idx.msk [tilespmem:v1+s10+$0xFFFFFFF0 ss:$0x1], $0xffff;
	[tilespmem:v0+s9+$0xFFFFFFE0 ss:$0x1] =	vst.idx.msk $0xffff, v3  }
0x45: {  	v2 =	vld.idx.msk [tilespmem:v1+s10+$0x0 ss:$0x1], $0xffff;
	[tilespmem:v0+s9+$0xFFFFFFF0 ss:$0x1] =	vst.idx.msk $0xffff, v7;
	s9 =	smov.u32 s10  }
0x46: {  	v3 =	vld.idx.msk [tilespmem:v1+s9+$0x10 ss:$0x1], $0xffff;
	[tilespmem:v0+s9+$0x0 ss:$0x1] =	vst.idx.msk $0xffff, v8  }
0x47: {  	s10 =	sshra.s32 s11, $0x2;
	s11 =	sadd.s32 $0x200, s11;
	[tilespmem:v0+s9+$0xFFFFFF90 ss:$0x1] =	vst.idx.msk $0xffff, v9;
	v7 =	vld.idx.msk [tilespmem:v1+s9+$0x20 ss:$0x1], $0xffff  }
0x48: {  	_ =	sdelay $0x3  }
0x49: {  	[tilespmem:v0+s9+$0xFFFFFFA0 ss:$0x1] =	vst.idx.msk $0xffff, v6  }
0x4a: {  	v56 =	vld.idx.msk [tilespmem:v1+s10+$0x30 ss:$0x1], $0xffff;
	[tilespmem:v0+s9+$0xFFFFFFB0 ss:$0x1] =	vst.idx.msk $0xffff, v5  }
0x4b: {  	v57 =	vld.idx.msk [tilespmem:v1+s10+$0xFFFFFFC0 ss:$0x1], $0xffff;
	[tilespmem:v0+s9+$0xFFFFFFC0 ss:$0x1] =	vst.idx.msk $0xffff, v4  }
0x4c: {  	v58 =	vld.idx.msk [tilespmem:v1+s10+$0xFFFFFFD0 ss:$0x1], $0xffff;
	[tilespmem:v0+s9+$0xFFFFFFD0 ss:$0x1] =	vst.idx.msk $0xffff, v2  }
0x4d: {  	v59 =	vld.idx.msk [tilespmem:v1+s10+$0xFFFFFFE0 ss:$0x1], $0xffff;
	[tilespmem:v0+s9+$0xFFFFFFE0 ss:$0x1] =	vst.idx.msk $0xffff, v3  }
0x4e: {  	v60 =	vld.idx.msk [tilespmem:v1+s10+$0xFFFFFFF0 ss:$0x1], $0xffff;
	[tilespmem:v0+s9+$0xFFFFFFF0 ss:$0x1] =	vst.idx.msk $0xffff, v7  }
0x4f: {  	v61 =	vld.idx.msk [tilespmem:v1+s10+$0x0 ss:$0x1], $0xffff;
	[tilespmem:v0+s10+$0x0 ss:$0x1] =	vst.idx.msk $0xffff, v56  }
0x50: {  	v62 =	vld.idx.msk [tilespmem:v1+s10+$0x10 ss:$0x1], $0xffff;
	s6 =	sadd.s32 $0x1, s6;
	[tilespmem:v0+s10+$0xFFFFFF90 ss:$0x1] =	vst.idx.msk $0xffff, v57  }
0x51: {  	v63 =	vld.idx.msk [tilespmem:v1+s10+$0x20 ss:$0x1], $0xffff;
	p0 =	sne.s32 s6, $0x4;
	[tilespmem:v0+s10+$0xFFFFFFA0 ss:$0x1] =	vst.idx.msk $0xffff, v58  }
.Ltmp4:
0x52: {  	[tilespmem:v0+s10+$0xFFFFFFB0 ss:$0x1] =	vst.idx.msk $0xffff, v59;
	(pc) =	sbr.rel @p0 .LBB1_4-.Ltmp4, $4  }
0x53: {  	[tilespmem:v0+s10+$0xFFFFFFC0 ss:$0x1] =	vst.idx.msk $0xffff, v60  }
0x54: {  	[tilespmem:v0+s10+$0xFFFFFFD0 ss:$0x1] =	vst.idx.msk $0xffff, v61  }
0x55: {  	[tilespmem:v0+s10+$0xFFFFFFE0 ss:$0x1] =	vst.idx.msk $0xffff, v62  }
0x56: {  	s29 =	sadd.s32 $0x1000, s29;
	s30 =	sadd.s32 $0x400, s30;
	[tilespmem:v0+s10+$0xFFFFFFF0 ss:$0x1] =	vst.idx.msk $0xffff, v63  }
0x57: {  	s31 =	sadd.s32 $0x1, s31  }
0x58: {  	p0 =	sne.s32 s31, $0x4  }
.Ltmp5:
0x59: {  	_ = 	snop;
	(pc) =	sbr.rel @p0 .LBB1_3-.Ltmp5, $2  }
0x5a: {  	_ =	sdelay $0x2  }
0x5b: {  	s0 =	sadd.s32 $0x400, s0;
	s1 =	sadd.s32 $0x1000, s1  }
0x5c: {  	s6 =	smul.u32 $0xC4000, s26  }
0x5d: {  	s0 =	sand.u32 $0x1FFFFFF, s23;
	s9 =	smul.u32 $0x31000, s25  }
0x5e: {  	s1 =	smulhi.u32 $0x4924925, s0  }
0x5f: {  	s23 =	smul.u32 $0x380, s24  }
0x60: {  	s11 =	rddreg [dreg:$0x2];
	s6 =	sadd.s32 s6, s9;
	s1 =	smul.u32 $0x38, s1  }
0x61: {  	s10 =	smul.u32 $0xC400, s22;
	s11 =	sadd.s32 s11, s6  }
0x62: {  	s24 =	sadd.s32 s23, s11;
	s0 =	ssub.s32 s0, s1  }
0x63: {  	s1 =	sadd.s32 s10, s24;
	s0 =	sshll.u32 s0, $0x4  }
0x64: {  	s25 =	rddreg [dreg:$0x3];
	s1 =	sadd.s32 s0, s1  }
0x65: {  	[hbm4b:s1+s13] =	stream.strided.scatter [tilespmem:s28], [sflag:$0x2], $0x1000, s14, s13, $0x38;
	[tilespmem:$0x10000] =	vst v63  }
0x66: {  	s1 =	sadd.s32 s6, s25  }
0x67: {  	s1 =	sadd.s32 s23, s1  }
0x68: {  	s1 =	sadd.s32 s10, s1  }
0x69: {  	s26 =	sadd.s32 $0x9000, s27;
	s28 =	rddreg [dreg:$0x4];
	s1 =	sadd.s32 s0, s1  }
0x6a: {  	[hbm4b:s1+s13] =	stream.strided.scatter [tilespmem:s26], [sflag:$0x2], $0x1000, s14, s13, $0x38;
	[tilespmem:$0x10000] =	vst v63  }
0x6b: {  	s1 =	sadd.s32 s6, s28  }
0x6c: {  	s1 =	sadd.s32 s23, s1  }
0x6d: {  	s1 =	sadd.s32 s10, s1  }
0x6e: {  	s29 =	sadd.s32 $0xA000, s27;
	s30 =	rddreg [dreg:$0x5];
	s1 =	sadd.s32 s0, s1  }
0x6f: {  	[hbm4b:s1+s13] =	stream.strided.scatter [tilespmem:s29], [sflag:$0x2], $0x1000, s14, s13, $0x38;
	[tilespmem:$0x10000] =	vst v63  }
.Ltmp6:
0x70: {  	s1 =	sadd.s32 s6, s30;
	(pc) =	sbr.rel .LBB1_9-.Ltmp6, $4  }
0x71: {  	s1 =	sadd.s32 s23, s1  }
0x72: {  	s1 =	sadd.s32 s10, s1  }
0x73: {  	s31 =	sadd.s32 $0xB000, s27;
	s0 =	sadd.s32 s0, s1  }
0x74: {  	[hbm4b:s0+s13] =	stream.strided.scatter [tilespmem:s31], [sflag:$0x2], $0x1000, s14, s13, $0x38;
	[tilespmem:$0x10000] =	vst v63  }
.LBB1_10:
0x75: {  	_ =	sfence.sel $0x180000  }
0x76: {  	s0 =	simm.s32 $0x1;
	[bflag:$0x0] =	sbarrier.arrive $0xFFFF  }
0x77: {  	s30 =	simm.s32 $0x2;
	[sflag:s0] =	ssyncpa.u1 $0x1  }
0x78: {  	[sflag:s30] =	ssyncpa.u1 $0x1  }
0x79: {  	_ =	strace $0x90000047  }
0x7a: {  	s31 =	stileid.u32;
	[bflag:$0x2] =	sbarrier.arrive $0xFFFF  }
0x7b: {  	p0 =	sne.s32 s31, $0x0;
	s0 =	rddreg [dreg:$0x1]  }
0x7c: {  	s0 =	sadd.s32 @!p0 $0x100000, s0  }
0x7d: {  	[sflag:s0] =	ssyncadd.tile.s32 @!p0 $0x1;
	_ =	shalt  }
.Lfunc_end1:
_tile_overlayer_lowered:
.L_overlay_start_2:
0x7e: {  	(tag) =	ssettag $0x2  }
0x7f: {  	s0 =	rddreg [dreg:$0x0];
	s2 =	stileid.u32  }
0x80: {  	s1 =	rddreg [dreg:$0x1];
	p0 =	sne.s32 s2, $0x0  }
0x81: {  	s3 =	rddreg [dreg:$0x2];
	[bflag:$0x3] =	sbarrier.arrive $0xFFFF;
	s2 =	simm.s32 @!p0 $0x1C01  }
0x82: {  	[timem:s3], [sflag:s2] =	dma.local @!p0 [hbm:s0], s1  }
0x83: {  	s0 =	simm.s32 @!p0 $0x1  }
0x84: {  	_ =	swait.ge @!p0 [sflag:s0], s1  }
0x85: {  	s1 =	ssub.s32 @!p0 $0x0, s1;
	[sflag:s0] =	ssyncset.done @!p0 $0x0  }
0x86: {  	[sflag:s0] =	ssyncadd.s32 @!p0 s1  }
0x87: {  	[bflag:$0x3] =	sbarrier.arrive $0xFFFF  }
0x88: {  	_ =	shalt  }

// kernel: sparse-core-data-format-call.cloned.1.call-start
scs
called_computation_lowered:
.L_overlay_start_0:
0x0: {  	s2 =	sld [smem:$0x3FD9]  }
0x1: {  	s3 =	sld [smem:$0x3FFE];
	_ =	sdelay $0x1  }
0x2: {  	s1 =	srdreg.scid  }
0x3: {  	s0 =	sand.u32 $0x1, s1  }
0x4: {  	s18 =	sshll.u32 s0, $0xA;
	s2 =	sadd.s32 s3, s2  }
0x5: {  	s2 =	sadd.s32 s2, s18  }
0x6: {  	[smem:$0x3FC1] =	sst s2  }
0x7: {  	_ = 	snop  }
0x8: {  	s2 =	sld [smem:$0x3FD0];
	(tm) =	ssettm $0x1  }
0x9: {  	s19 =	sld [smem:$0x3FFB];
	_ =	sdelay $0x3  }
0xa: {  	_ =	strace s19  }
0xb: {  	s3 =	sld [smem:$0x3FFC];
	_ =	sdelay $0x3  }
0xc: {  	_ =	strace s3  }
0xd: {  	s3 =	sld [smem:$0x3FFD];
	_ =	sdelay $0x3  }
0xe: {  	_ =	strace s3  }
0xf: {  	_ =	strace $0x8FFFFFFF  }
0x10: {  	s20 =	sld [smem:$0x3FDB];
	_ =	sdelay $0x1  }
0x11: {  	s4 =	simm.s32 $_scs_section_size  }
0x12: {  	s5 =	simm.s32 $_size__tile_overlayer_lowered;
	s6 =	simm.s32 $_tile_overlayer_lowered  }
0x13: {  	s23 =	simm.s32 $0x1BFF;
	s22 =	sshll.u32 s6, $0x1;
	s3 =	sadd.s32 s4, s20  }
0x14: {  	s7 =	simm.s32 $0x0;
	s21 =	sshll.u32 s5, $0x1;
	s5 =	sadd.s32 s22, s3  }
0x15: {  	[timem:s7], [sflag:s23] =	dma.local [hbm:s5], s21  }
0x16: {  	_ =	swait.ge [sflag:s23], s21  }
0x17: {  	s4 =	ssub.s32 $0x0, s21;
	[sflag:s23] =	ssyncset.done $0x0  }
0x18: {  	[sflag:s23] =	ssyncadd.s32 s4;
	_ =	sdelay $0x1  }
0x19: {  	s24 =	simm.s32 $0x1B8B  }
0x1a: {  	_ =	swait.ge [sflag:s24], $0x1  }
0x1b: {  	[sflag:s24] =	ssyncset.done $0x0  }
0x1c: {  	s26 =	simm.s32 $0x1B8E;
	s25 =	sld [smem:$0x3FFE];
	[sflag:s24] =	ssyncadd.s32 $0xFFFFFFFF  }
0x1d: {  	s27 =	simm.s32 $execute0_lowered;
	[smem:$0x3FD2] =	sst s26  }
0x1e: {  	s5 =	sshll.u32 s27, $0x1;
	_ =	strace $0x8000004C;
	[dreg:$0x1] =	wrdreg $0xFFFFFFFF  }
0x1f: {  	s28 =	simm.s32 $_size_execute0_lowered;
	s3 =	sadd.s32 s3, s5;
	[dreg:$0x0] =	wrdreg $0x0  }
0x20: {  	s5 =	sshll.u32 s28, $0x1;
	[dreg:$0x2] =	wrdreg s3  }
0x21: {  	[dreg:$0x3] =	wrdreg s5  }
0x22: {  	[dreg:$0x4] =	wrdreg $0xC0  }
0x23: {  	_ =	task [dreg:s7], $0x5FFFF  }
0x24: {  	[dreg:$0x1] =	wrdreg $0xFFFFFFFF  }
0x25: {  	[dreg:$0x0] =	wrdreg $0x60  }
0x26: {  	[dreg:$0x2] =	wrdreg s25  }
0x27: {  	[dreg:$0x3] =	wrdreg s2  }
0x28: {  	[dreg:$0x4] =	wrdreg $0x9  }
0x29: {  	_ =	task.clear_ibuf [dreg:s7], $0x5FFFF;
	_ =	strace $0x9000004C  }
0x2a: {  	s29 =	simm.s32 $0x9;
	_ =	strace $0x8000004E  }
0x2b: {  	_ =	swait.ge [sflag:s29], $0x1  }
0x2c: {  	[sflag:s29] =	ssyncadd.s32 $0xFFFFFFFF  }
0x2d: {  	_ =	strace $0x9000004E  }
0x2e: {  	_ =	sfence  }
0x2f: {  	s30 =	sld [smem:$0x0];
	_ =	sdelay $0x2  }
0x30: {  	s31 =	sshll.u32 s1, $0xD;
	s1 =	sshrl.u32 s1, $0x2  }
0x31: {  	s3 =	sand.u32 $0x4000, s31;
	s1 =	sadd.s32 s1, s30  }
0x32: {  	s0 =	sor.u32 s3, s0;
	s1 =	sshll.u32 s1, $0x11  }
0x33: {  	s0 =	sor.u32 s1, s0  }
0x34: {  	s0 =	sadd.s32 $0x8F2B, s0  }
0x35: {  	[sflag:s0] =	ssyncadd.remote.s32 $0x1  }
0x36: {  	_ =	sfence.sel $0xFFFF  }
0x37: {  	[dreg:$0x0] =	wrdreg $0xFFFFFFFF;
	(pc) =	sbr.abs _section_cstart, $3  }
0x38: {  	[dreg:$0x1] =	wrdreg $0xFFFFFFFF  }
0x39: {  	_ =	task.clear_ibuf [dreg:s7], $0x2FFFF;
	_ =	strace $0x9FFFFFFF  }
0x3a: {  	(tm) =	ssettm $0x7FFFFFFF  }
0x3b: {  	_ =	shalt  }
tec
execute0_lowered:
.L_overlay_start_1:
0x0: {  	(tag) =	ssettag $0x1  }
0x1: {  	s0 =	rddreg [dreg:$0x0];
	s4 =	stileid.u32;
	_ =	strace $0x8000004D  }
0x2: {  	s2 =	srdreg.scid;
	s30 =	simm.s32 $0x1;
	s31 =	simm.s32 $0x2  }
0x3: {  	s18 =	simm.s32 $0x0;
	s19 =	simm.s32 $0x0;
	s20 =	simm.s32 $0x0  }
0x4: {  	s10 =	simm.s32 $0x0;
	s11 =	simm.s32 $0x0;
	s17 =	simm.s32 $0x0  }
0x5: {  	s12 =	simm.s32 $0x0;
	s6 =	sand.u32 $0x1, s4;
	s29 =	sshll.u32 s2, $0x4  }
0x6: {  	s7 =	sadd.s32 $0x189600, s0;
	s1 =	ssub.s32 $0x2, s6;
	s0 =	sand.u32 $0x10, s29  }
0x7: {  	[dreg:$0x3] =	wrdreg s6;
	s3 =	sshrl.u32 s1, $0x1;
	s1 =	sand.u32 $0x1, s1  }
.Ltmp0:
0x8: {  	s0 =	sor.u32 s4, s0;
	s1 =	sadd.s32 s1, s3;
	(pc) =	sbr.rel .LBB1_1-.Ltmp0, $4  }
0x9: {  	[dreg:$0x4] =	wrdreg s7;
	s9 =	sshrl.u32 s0, $0x1;
	s8 =	smul.u32 $0x1C, s1  }
0xa: {  	s16 =	simm.s32 $0x0;
	[sflag:s30] =	ssyncpa.u1 $0x0;
	[dreg:$0x6] =	wrdreg s9  }
0xb: {  	[sflag:s31] =	ssyncpa.u1 $0x0;
	s13 =	sor.u32 $0x1, s8;
	[dreg:$0x5] =	wrdreg s8  }
0xc: {  	s15 =	smov.u32 s6;
	s14 =	smov.u32 s9;
	[dreg:$0x7] =	wrdreg s13  }
.LBB1_13:
0xd: {  	s4 =	rddreg [dreg:$0xd]  }
0xe: {  	s23 =	rddreg [dreg:$0xc]  }
0xf: {  	s17 =	rddreg [dreg:$0x8]  }
0x10: {  	s26 =	rddreg [dreg:$0x1]  }
0x11: {  	s29 =	rddreg [dreg:$0xe]  }
0x12: {  	s0 =	sshll.u32 s11, $0x8;
	s1 =	sshll.u32 s10, $0x3;
	s6 =	rddreg [dreg:$0x3]  }
0x13: {  	p0 =	sgt.s32 s10, $0x80;
	s2 =	smov.u32 s10;
	s7 =	rddreg [dreg:$0x4]  }
0x14: {  	s3 =	sshll.u32 s11, $0x7;
	s24 =	sand.u32 $0x78, s10;
	s8 =	rddreg [dreg:$0x5]  }
0x15: {  	s27 =	sand.u32 $0x7, s10;
	s31 =	simm.s32 $0xE000;
	s9 =	rddreg [dreg:$0x6]  }
0x16: {  	s0 =	sand.u32 $0xFFFFF800, s0;
	s1 =	sand.u32 $0xFFFFFC00, s1;
	s2 =	simm.s32 @!p0 $0x80  }
0x17: {  	s20 =	sand.u32 $0x300, s3;
	s0 =	sadd.s32 s0, s1;
	s2 =	sadd.s32 s4, s2  }
0x18: {  	s5 =	smul.u32 $0xA8000, s17;
	s0 =	sor.u32 s20, s0;
	s21 =	sadd.s32 $0xFFFFFF80, s2  }
0x19: {  	s1 =	ssub.s32 $0x100, s2;
	s0 =	sshrl.u32 s0, $0x8;
	p0 =	sgt.s32 s21, $0x7F  }
0x1a: {  	s13 =	rddreg [dreg:$0x7];
	s22 =	smulhi.u32 $0x124924A, s0;
	s1 =	simm.s32 @p0 $0x0  }
0x1b: {  	s18 =	rddreg [dreg:$0x9];
	s3 =	sand.u32 $0x80, s3;
	s1 =	smul.u32 s1, s23  }
0x1c: {  	s19 =	rddreg [dreg:$0xa];
	s3 =	sor.u32 s24, s3;
	s2 =	smul.u32 $0xE0, s22  }
0x1d: {  	s28 =	sshll.u32 s27, $0x12;
	s4 =	sor.u32 $0x8000, s29;
	s25 =	sshrl.u32 s3, $0x3  }
0x1e: {  	s3 =	sadd.s32 s26, s5;
	s1 =	smul.u32 $0x60, s1;
	s0 =	ssub.s32 s0, s2  }
0x1f: {  	s30 =	sor.u32 $0x80, s28;
	s2 =	sadd.s32 s25, s3;
	s0 =	sshll.u32 s0, $0x5  }
0x20: {  	s20 =	rddreg [dreg:$0xb];
	s1 =	sand.u32 $0x3FFFFFE0, s1;
	s0 =	sadd.s32 s0, s2  }
0x21: {  	[hbm4b:s0+s30] =	stream.strided.scatter [tilespmem:s4], [sflag:$0x2], s1, s31, s30, $0x20;
	[tilespmem:$0x10100] =	vst v63  }
.LBB1_14:
0x22: {  	p0 =	slt.u32 s16, $0x2  }
0x23: {  	s0 =	smov.u32 s20;
	s2 =	smov.u32 s19;
	p1 =	sgt.s32 @!p0 s20, $0x1  }
0x24: {  	s1 =	sshra.s32 @!p0 s20, $0x1F;
	s3 =	sshra.s32 @!p0 s19, $0x1F;
	p1 =	por !p1, p0  }
0x25: {  	s1 =	sand.u32 @!p0 s1, s20;
	s0 =	simm.s32 @p1 $0x1;
	p1 =	sgt.s32 @!p0 s19, $0xDF  }
0x26: {  	p2 =	sgt.s32 @!p0 s18, $0x80;
	s1 =	sxor.u32 @!p0 $0xFFFFFFFF, s1;
	p1 =	por !p1, p0  }
0x27: {  	s0 =	sadd.s32 @!p0 s1, s0;
	s1 =	sand.u32 @!p0 s3, s19;
	s2 =	simm.s32 @p1 $0xDF  }
0x28: {  	p2 =	por !p2, p0;
	s3 =	smov.u32 s18;
	s1 =	ssub.s32 @!p0 s2, s1  }
0x29: {  	p1 =	sgt.s32 @!p0 s0, $0x0;
	s0 =	ssub.s32 @!p0 $0x1, s0;
	s2 =	sadd.s32 @!p0 $0xFFFFFF21, s1  }
0x2a: {  	s3 =	simm.s32 @p2 $0x80;
	p2 =	sgt.s32 @!p0 s2, $0x0;
	s2 =	sshra.s32 @!p0 s18, $0x1F  }
0x2b: {  	s0 =	smul.u32 @!p0 $0x60, s0;
	p1 =	por !p1, p0;
	s2 =	sand.u32 @!p0 s2, s18  }
0x2c: {  	s1 =	ssub.s32 @!p0 $0xE0, s1;
	p2 =	por !p2, p0;
	s2 =	ssub.s32 @!p0 s3, s2  }
0x2d: {  	s0 =	simm.s32 @!p1 $0x0;
	s1 =	simm.s32 @!p2 $0x0;
	s3 =	sadd.s32 @!p0 $0xFFFFFF80, s2  }
0x2e: {  	s4 =	smov.u32 s14;
	s0 =	smul.u32 @!p0 s0, s1;
	p1 =	sgt.s32 @!p0 s3, $0x7F  }
0x2f: {  	s1 =	ssub.s32 @!p0 $0x100, s2;
	s2 =	sadd.s32 $0x80, s12;
	p1 =	por !p1, p0  }
0x30: {  	s3 =	sadd.s32 $0x10, s14;
	s1 =	simm.s32 @!p1 $0x0;
	p1 =	sgt.s32 s2, $0xDF  }
0x31: {  	s0 =	smul.u32 @!p0 s1, s0;
	s4 =	smov.u32 @p1 s3  }
0x32: {  	s1 =	sadd.s32 $0x2, s15;
	s3 =	smov.u32 s15;
	p2 =	sgt.s32 s4, $0xDF  }
0x33: {  	s20 =	smov.u32 s17;
	s3 =	smov.u32 @p2 s1  }
0x34: {  	s17 =	smov.u32 s15;
	s2 =	simm.s32 @p1 $0x0;
	p1 =	sgt.s32 s3, $0x1  }
0x35: {  	s19 =	smov.u32 s11;
	s3 =	smov.u32 @p1 s6;
	p1 =	sne.s32 s16, s13  }
.Ltmp1:
0x36: {  	s11 =	smov.u32 s14;
	s18 =	smov.u32 s10;
	(pc) =	sbr.rel @!p1 .LBB1_15-.Ltmp1, $4  }
0x37: {  	s10 =	smov.u32 s12;
	s0 =	sand.u32 @!p0 $0x3FFFFFE0, s0;
	s1 =	simm.s32 @!p0 $0x2  }
0x38: {  	s12 =	smov.u32 s2;
	s4 =	smov.u32 @p2 s9;
	_ =	swait.ge @!p0 [sflag:s1], s0  }
0x39: {  	s0 =	ssub.s32 @!p0 $0x0, s0;
	s14 =	smov.u32 s4;
	[sflag:s1] =	ssyncset.done @!p0 $0x0  }
0x3a: {  	s16 =	sadd.s32 $0x1, s16;
	[sflag:s1] =	ssyncadd.s32 @!p0 s0;
	s15 =	smov.u32 s3  }
.LBB1_1:
0x3b: {  	p0 =	sge.u32 s16, s8;
	s2 =	smov.u32 s15;
	s4 =	smov.u32 s14  }
0x3c: {  	s31 =	sadd.s32 $0xFFFFFFFF, s16;
	s0 =	sand.u32 @!p0 $0x1FFFFFF, s12;
	p1 =	sgt.s32 @!p0 s15, $0x1  }
0x3d: {  	s3 =	sshra.s32 @!p0 s15, $0x1F;
	s5 =	sshra.s32 @!p0 s14, $0x1F;
	s1 =	smulhi.u32 @!p0 $0x2492493, s0  }
0x3e: {  	p1 =	por !p1, p0;
	s3 =	sand.u32 @!p0 s3, s15;
	s5 =	sand.u32 @!p0 s5, s14  }
0x3f: {  	s2 =	simm.s32 @p1 $0x1;
	p1 =	sgt.s32 @!p0 s14, $0xDF;
	s3 =	sxor.u32 @!p0 $0xFFFFFFFF, s3  }
0x40: {  	s1 =	sshrl.u32 @!p0 s1, $0x1;
	p1 =	por !p1, p0;
	s2 =	sadd.s32 @!p0 s3, s2  }
0x41: {  	s1 =	smul.u32 @!p0 $0xE0, s1;
	s4 =	simm.s32 @p1 $0xDF;
	p1 =	sgt.s32 @!p0 s12, $0x60  }
0x42: {  	p2 =	sgt.s32 @!p0 s2, $0x0;
	s2 =	sshll.u32 @!p0 s2, $0x7;
	s3 =	ssub.s32 @!p0 s4, s5  }
0x43: {  	p1 =	por !p1, p0;
	s4 =	smov.u32 s12;
	s5 =	sadd.s32 @!p0 $0xFFFFFF21, s3  }
0x44: {  	s4 =	simm.s32 @p1 $0x60;
	p1 =	sgt.s32 @!p0 s5, $0x0;
	s5 =	sshra.s32 @!p0 s12, $0x1F  }
0x45: {  	s2 =	ssub.s32 @!p0 $0x80, s2;
	p2 =	por !p2, p0;
	s5 =	sand.u32 @!p0 s5, s12  }
0x46: {  	s3 =	ssub.s32 @!p0 $0xE0, s3;
	p1 =	por !p1, p0;
	s4 =	ssub.s32 @!p0 s4, s5  }
0x47: {  	s2 =	simm.s32 @!p2 $0x0;
	s3 =	simm.s32 @!p1 $0x0;
	s5 =	sadd.s32 @!p0 $0xFFFFFFA0, s4  }
0x48: {  	s0 =	ssub.s32 @!p0 s0, s1;
	s2 =	smul.u32 @!p0 s3, s2;
	p1 =	sgt.s32 @!p0 s5, $0x7F  }
0x49: {  	s3 =	ssub.s32 @!p0 $0xE0, s4;
	s4 =	smul.u32 @!p0 $0xC4000, s15;
	p1 =	por !p1, p0  }
0x4a: {  	s1 =	smul.u32 @!p0 $0xE00, s14;
	s5 =	sxor.u32 @!p0 $0xFFFFFFFF, s16;
	s3 =	simm.s32 @!p1 $0x0  }
0x4b: {  	s5 =	sshll.u32 @!p0 s5, $0xE;
	s2 =	smul.u32 @!p0 s3, s2;
	s3 =	sadd.s32 @!p0 s7, s4  }
0x4c: {  	s0 =	sshll.u32 @!p0 s0, $0x4;
	s4 =	sand.u32 @!p0 $0x4000, s5;
	s1 =	sadd.s32 @!p0 s1, s3  }
0x4d: {  	s2 =	sand.u32 @!p0 $0x3FFFFF80, s2;
	s0 =	sadd.s32 @!p0 s0, s1;
	s1 =	simm.s32 @!p0 $0x0  }
0x4e: {  	[tilespmem:s4], [sflag:$0x1] =	stream.linear.gather @!p0 [hbm4b:s0+s1], s2, $0x38;
	[tilespmem:$0x10100] =	vst v63  }
0x4f: {  	p0 =	sge.u32 s31, s8  }
.Ltmp2:
0x50: {  	_ = 	snop;
	(pc) =	sbr.rel @p0 .LBB1_14-.Ltmp2, $1  }
0x51: {  	_ =	sdelay $0x3  }
0x52: {  	p0 =	sgt.s32 s17, $0x1  }
0x53: {  	s0 =	sshra.s32 s17, $0x1F;
	p1 =	sgt.s32 s11, $0xDF;
	s1 =	smov.u32 s11  }
0x54: {  	s2 =	sshra.s32 s11, $0x1F;
	s3 =	smov.u32 s17;
	s24 =	ssub.s32 $0x0, s10  }
0x55: {  	s25 =	sshra.s32 s10, $0x1F;
	p2 =	sgt.s32 s10, $0x60;
	s4 =	smov.u32 s10  }
0x56: {  	s0 =	sand.u32 s0, s17;
	s1 =	simm.s32 @!p1 $0xDF;
	s2 =	sand.u32 s2, s11  }
0x57: {  	s3 =	simm.s32 @!p0 $0x1;
	s0 =	sxor.u32 $0xFFFFFFFF, s0;
	s1 =	ssub.s32 s1, s2  }
0x58: {  	s4 =	simm.s32 @!p2 $0x60;
	s0 =	sadd.s32 s0, s3;
	s2 =	sadd.s32 $0xFFFFFF21, s1  }
0x59: {  	s1 =	ssub.s32 $0xE0, s1;
	p0 =	sgt.s32 s0, $0x0;
	s0 =	ssub.s32 $0x1, s0  }
0x5a: {  	p1 =	sgt.s32 s2, $0x0;
	s2 =	sand.u32 s24, s25;
	s0 =	simm.s32 @p0 $0x0  }
0x5b: {  	s1 =	simm.s32 @p1 $0x0;
	[dreg:$0xd] =	wrdreg s2;
	s2 =	sadd.s32 s2, s4  }
0x5c: {  	s26 =	smul.u32 s0, s1;
	s27 =	sadd.s32 $0xFFFFFFA0, s2  }
0x5d: {  	s0 =	ssub.s32 $0xE0, s2;
	s1 =	sadd.s32 $0x1, s17;
	p0 =	sgt.s32 s27, $0x7F  }
0x5e: {  	s2 =	sadd.s32 $0x1, s11;
	s0 =	simm.s32 @p0 $0x0;
	p0 =	slt.s32 s1, $0x2  }
0x5f: {  	s1 =	simm.s32 @!p0 $0x2;
	p0 =	slt.s32 s2, $0xE0  }
0x60: {  	s23 =	ssub.s32 s1, s17;
	s2 =	simm.s32 @!p0 $0xE0;
	s1 =	sadd.s32 $0x80, s10  }
0x61: {  	s24 =	ssub.s32 s2, s11;
	p1 =	slt.s32 s1, $0xE0;
	p0 =	slt.s32 s23, $0x1  }
0x62: {  	[dreg:$0xb] =	wrdreg s20;
	s1 =	simm.s32 @!p1 $0xE0;
	p1 =	slt.s32 @!p0 s24, $0x1  }
0x63: {  	[dreg:$0xa] =	wrdreg s19;
	s25 =	ssub.s32 s1, s10;
	p1 =	por p0, p1  }
0x64: {  	[dreg:$0x9] =	wrdreg s18;
	s0 =	smul.u32 s0, s26;
	p2 =	slt.s32 @!p1 s25, $0x1  }
0x65: {  	[dreg:$0x8] =	wrdreg s17;
	p1 =	por p1, p2  }
.Ltmp3:
0x66: {  	s29 =	simm.s32 $0x1;
	s0 =	sshll.u32 s0, $0x7;
	(pc) =	sbr.rel @p1 .LBB1_13-.Ltmp3, $4  }
0x67: {  	[dreg:$0xc] =	wrdreg s26;
	s28 =	sand.u32 $0x3FFFFF80, s0;
	s0 =	sand.u32 $0x1, s16  }
0x68: {  	_ =	swait.ge [sflag:s29], s28;
	s31 =	smul.u32 $0x4080, s0  }
0x69: {  	s30 =	ssub.s32 $0x0, s28;
	[sflag:s29] =	ssyncset.done $0x0  }
0x6a: {  	[sflag:s29] =	ssyncadd.s32 s30;
	[dreg:$0xe] =	wrdreg s31  }
.Ltmp4:
0x6b: {  	(pc) =	sbr.rel .LBB1_4-.Ltmp4, $3  }
0x6c: {  	_ =	sdelay $0x1  }
0x6d: {  	s26 =	sshll.u32 @!p0 s0, $0xE;
	s0 =	rddreg [dreg:$0xe]  }
0x6e: {  	s28 =	simm.s32 $0x0;
	s27 =	sor.u32 @!p0 $0x8000, s0  }
.LBB1_12:
0x6f: {  	s28 =	sadd.s32 $0x1, s28  }
0x70: {  	p0 =	sne.s32 s28, s23  }
.Ltmp5:
0x71: {  	_ = 	snop;
	(pc) =	sbr.rel @!p0 .LBB1_13-.Ltmp5, $1  }
0x72: {  	_ =	sdelay $0x3  }
.LBB1_4:
0x73: {  	s0 =	smul.u32 $0x10200, s28;
	_ =	sdelay $0x1  }
0x74: {  	s0 =	sshra.s32 s0, $0x2  }
0x75: {  	s29 =	sadd.s32 s0, s27  }
0x76: {  	s9 =	simm.s32 $0x0;
	s30 =	sadd.s32 $0x810, s29;
	s31 =	sadd.s32 $0x1020, s29  }
0x77: {  	s0 =	sadd.s32 $0x1830, s29;
	s1 =	sadd.s32 $0x2040, s29;
	s2 =	sadd.s32 $0x2850, s29  }
.LBB1_5:
0x78: {  	s3 =	sadd.s32 s28, s9  }
0x79: {  	s3 =	sshll.u32 s3, $0x10  }
0x7a: {  	s3 =	sshra.s32 s3, $0x2  }
0x7b: {  	s3 =	sadd.s32 s3, s26  }
0x7c: {  	v0 =	vmov s3;
	_ =	sdelay $0x2  }
0x7d: {  	s17 =	simm.s32 $0x0  }
0x7e: {  	p1 =	sne.s32 s25, $0x1;
	s21 =	sand.u32 $0x3F80, s17  }
.Ltmp6:
0x7f: {  	s22 =	sand.u32 $0x7, s9;
	v8 =	vld.idx.msk [tilespmem:v0+s21+$0x0 ss:$0x1], $0xffff;
	(pc) =	sbr.rel @!p1 .LBB1_6-.Ltmp6, $4  }
0x80: {  	s13 =	simm.s32 $0x1;
	s5 =	smul.u32 $0x81, s22;
	v9 =	vld.idx.msk [tilespmem:v0+s21+$0x10 ss:$0x1], $0xffff  }
0x81: {  	s18 =	simm.s32 $0x80;
	p0 =	por $0x0, $0x0;
	s17 =	sand.u32 $0x7F, s17;
	v10 =	vld.idx.msk [tilespmem:v0+s21+$0x20 ss:$0x1], $0xffff  }
0x82: {  	s6 =	sadd.s32 s5, s29;
	s7 =	sadd.s32 s5, s31;
	s8 =	sadd.s32 s5, s0;
	v11 =	vld.idx.msk [tilespmem:v0+s21+$0x30 ss:$0x1], $0xffff  }
0x83: {  	s4 =	sadd.s32 s5, s1;
	s3 =	sadd.s32 s5, s30;
	s5 =	sadd.s32 s5, s2;
	v7 =	vld.idx.msk [tilespmem:v0+s21+$0x40 ss:$0x1], $0xffff  }
0x84: {  	_ =	sdelay $0x3  }
0x85: {  	s20 =	sand.u32 $0x3F80, s18;
	s19 =	sadd.s32 s17, s6;
	v1 =	vld.idx.msk [tilespmem:v0+s21+$0x50 ss:$0x1], $0xffff;
	p1 =	sne.s32 s25, $0x2  }
.Ltmp7:
0x86: {  	s22 =	sadd.s32 s17, s3;
	v2 =	vld.idx.msk [tilespmem:v0+s20+$0x0 ss:$0x1], $0xffff;
	[tilespmem:s19+$0x0 ss:$0x81] =	vst.msk $0xffff, v8;
	(pc) =	sbr.rel @!p1 .LBB1_8-.Ltmp7, $4  }
0x87: {  	v3 =	vld.idx.msk [tilespmem:v0+s20+$0x10 ss:$0x1], $0xffff;
	[tilespmem:s22+$0x0 ss:$0x81] =	vst.msk $0xffff, v9;
	s19 =	sadd.s32 s17, s7  }
0x88: {  	v4 =	vld.idx.msk [tilespmem:v0+s20+$0x20 ss:$0x1], $0xffff;
	s22 =	sadd.s32 s17, s8;
	[tilespmem:s19+$0x0 ss:$0x81] =	vst.msk $0xffff, v10  }
0x89: {  	s21 =	simm.s32 $0x2;
	s18 =	sadd.s32 s17, s5;
	v5 =	vld.idx.msk [tilespmem:v0+s20+$0x30 ss:$0x1], $0xffff;
	s19 =	sadd.s32 s17, s4;
	[tilespmem:s22+$0x0 ss:$0x81] =	vst.msk $0xffff, v11  }
0x8a: {  	p0 =	por $0x1, $0x1;
	v6 =	vld.idx.msk [tilespmem:v0+s20+$0x40 ss:$0x1], $0xffff;
	s22 =	sand.u32 $0x7F, s13;
	s13 =	simm.s32 $0x100;
	[tilespmem:s19+$0x0 ss:$0x81] =	vst.msk $0xffff, v7  }
.LBB1_9:
0x8b: {  	s19 =	smov.u32 s21;
	s21 =	sadd.s32 $0x1, s21  }
0x8c: {  	s17 =	sadd.s32 s22, s6;
	[tilespmem:s18+$0x0 ss:$0x81] =	vst.msk $0xffff, v1;
	v1 =	vld.idx.msk [tilespmem:v0+s20+$0x50 ss:$0x1], $0xffff;
	s20 =	sand.u32 $0x3F80, s13;
	p1 =	sne.s32 s25, s21  }
.Ltmp8:
0x8d: {  	[tilespmem:s17+$0x0 ss:$0x81] =	vst.msk $0xffff, v2;
	v2 =	vld.idx.msk [tilespmem:v0+s20+$0x0 ss:$0x1], $0xffff;
	s17 =	sadd.s32 s22, s3;
	(pc) =	sbr.rel @p1 .LBB1_9-.Ltmp8, $4  }
0x8e: {  	[tilespmem:s17+$0x0 ss:$0x81] =	vst.msk $0xffff, v3;
	v3 =	vld.idx.msk [tilespmem:v0+s20+$0x10 ss:$0x1], $0xffff;
	s17 =	sadd.s32 s22, s7  }
0x8f: {  	[tilespmem:s17+$0x0 ss:$0x81] =	vst.msk $0xffff, v4;
	v4 =	vld.idx.msk [tilespmem:v0+s20+$0x20 ss:$0x1], $0xffff;
	s17 =	sadd.s32 s22, s8  }
0x90: {  	[tilespmem:s17+$0x0 ss:$0x81] =	vst.msk $0xffff, v5;
	v5 =	vld.idx.msk [tilespmem:v0+s20+$0x30 ss:$0x1], $0xffff;
	s17 =	sadd.s32 s22, s4  }
0x91: {  	s13 =	sadd.s32 $0x80, s13;
	s18 =	sadd.s32 s22, s5;
	s22 =	sand.u32 $0x7F, s19;
	[tilespmem:s17+$0x0 ss:$0x81] =	vst.msk $0xffff, v6;
	v6 =	vld.idx.msk [tilespmem:v0+s20+$0x40 ss:$0x1], $0xffff  }
0x92: {  	_ =	sdelay $0x3  }
0x93: {  	s17 =	smov.u32 s22;
	s21 =	smov.u32 s20;
	v8 =	vmovc v2;
	v9 =	vmovc v3;
	v10 =	vmov v4;
	v11 =	vmov v5;
	v7 =	vmov v6  }
.LBB1_11:
0x94: {  	_ =	sdelay $0x2  }
0x95: {  	s6 =	sadd.s32 s17, s6;
	[tilespmem:s18+$0x0 ss:$0x81] =	vst.msk @p0 $0xffff, v1;
	s9 =	sadd.s32 $0x1, s9  }
0x96: {  	v0 =	vld.idx.msk [tilespmem:v0+s21+$0x50 ss:$0x1], $0xffff;
	s3 =	sadd.s32 s17, s3;
	[tilespmem:s6+$0x0 ss:$0x81] =	vst.msk $0xffff, v8;
	p0 =	sne.s32 s9, s24  }
.Ltmp9:
0x97: {  	s19 =	sadd.s32 s17, s7;
	[tilespmem:s3+$0x0 ss:$0x81] =	vst.msk $0xffff, v9;
	(pc) =	sbr.rel @p0 .LBB1_5-.Ltmp9, $4  }
.Ltmp10:
0x98: {  	s20 =	sadd.s32 s17, s8;
	[tilespmem:s19+$0x0 ss:$0x81] =	vst.msk $0xffff, v10;
	(pc) =	sbr.rel @!p0 .LBB1_12-.Ltmp10, $4  }
0x99: {  	s21 =	sadd.s32 s17, s4;
	[tilespmem:s20+$0x0 ss:$0x81] =	vst.msk $0xffff, v11  }
0x9a: {  	s22 =	sadd.s32 s17, s5;
	[tilespmem:s21+$0x0 ss:$0x81] =	vst.msk $0xffff, v7  }
0x9b: {  	[tilespmem:s22+$0x0 ss:$0x81] =	vst.msk $0xffff, v0  }
0x9c: {  	_ = 	snop  }
.LBB1_6:
.Ltmp11:
0x9d: {  	(pc) =	sbr.rel .LBB1_11-.Ltmp11, $2  }
0x9e: {  	_ =	sdelay $0x2  }
0x9f: {  	_ = 	snop  }
.LBB1_8:
.Ltmp12:
0xa0: {  	_ = 	snop;
	(pc) =	sbr.rel .LBB1_11-.Ltmp12, $2  }
0xa1: {  	_ =	sdelay $0x2  }
0xa2: {  	s17 =	smov.u32 s22;
	s21 =	smov.u32 s20;
	v8 =	vmovc v2;
	v9 =	vmovc v3;
	v10 =	vmov v4;
	v11 =	vmov v5;
	v7 =	vmov v6  }
.LBB1_15:
0xa3: {  	_ =	sfence.sel $0x180000  }
0xa4: {  	s0 =	simm.s32 $0x1;
	[bflag:$0x0] =	sbarrier.arrive $0xFFFF  }
0xa5: {  	s30 =	simm.s32 $0x2;
	[sflag:s0] =	ssyncpa.u1 $0x1  }
0xa6: {  	[sflag:s30] =	ssyncpa.u1 $0x1  }
0xa7: {  	_ =	strace $0x9000004D  }
0xa8: {  	s31 =	stileid.u32;
	[bflag:$0x2] =	sbarrier.arrive $0xFFFF  }
0xa9: {  	p0 =	sne.s32 s31, $0x0;
	s0 =	rddreg [dreg:$0x2]  }
0xaa: {  	s0 =	sadd.s32 @!p0 $0x100000, s0  }
0xab: {  	[sflag:s0] =	ssyncadd.tile.s32 @!p0 $0x1;
	_ =	shalt  }
.Lfunc_end1:
_tile_overlayer_lowered:
.L_overlay_start_2:
0xac: {  	(tag) =	ssettag $0x2  }
0xad: {  	s0 =	rddreg [dreg:$0x0];
	s2 =	stileid.u32  }
0xae: {  	s1 =	rddreg [dreg:$0x1];
	p0 =	sne.s32 s2, $0x0  }
0xaf: {  	s3 =	rddreg [dreg:$0x2];
	[bflag:$0x3] =	sbarrier.arrive $0xFFFF;
	s2 =	simm.s32 @!p0 $0x1C01  }
0xb0: {  	[timem:s3], [sflag:s2] =	dma.local @!p0 [hbm:s0], s1  }
0xb1: {  	s0 =	simm.s32 @!p0 $0x1  }
0xb2: {  	_ =	swait.ge @!p0 [sflag:s0], s1  }
0xb3: {  	s1 =	ssub.s32 @!p0 $0x0, s1;
	[sflag:s0] =	ssyncset.done @!p0 $0x0  }
0xb4: {  	[sflag:s0] =	ssyncadd.s32 @!p0 s1  }
0xb5: {  	[bflag:$0x3] =	sbarrier.arrive $0xFFFF  }
0xb6: {  	_ =	shalt  }

</sc_bundles>
